<compile_context>
chip_gen: v7x
topology: tpu7x:2x2x1
jax: 0.10.2.dev20260603
libtpu: 0.0.44.dev20260713+nightly
codegen_flags: <defaults>
</compile_context>

<pallas_src>
import functools

import jax
import jax.numpy as jnp
from jax import lax
from jax.experimental import pallas as pl
from jax.experimental.pallas import tpu as pltpu
from jax.experimental.pallas import tpu_sc as plsc

NUM_FEATURES = 100000
EMBED_DIM = 128
BATCH = 4096
N_FIELDS = 26

_INFO = plsc.get_sparse_core_info()
_NC = _INFO.num_cores
_NS = _INFO.num_subcores
_NW = _NC * _NS

_BATCH_PER_W = BATCH // _NW
_FPC = 2
_N_CHUNKS = N_FIELDS // _FPC
_ROWS_PER_C = _FPC * _BATCH_PER_W
_NB = 3
_LA = 2


def _sc_gather(idx, table):
    mesh = plsc.VectorSubcoreMesh(core_axis_name="c", subcore_axis_name="s")

    @functools.partial(
        pl.kernel,
        out_type=jax.ShapeDtypeStruct((N_FIELDS * BATCH, EMBED_DIM), jnp.float32),
        mesh=mesh,
        scratch_types=(
            [pltpu.VMEM((N_FIELDS * _BATCH_PER_W,), jnp.int32)]
            + [pltpu.VMEM((_ROWS_PER_C, EMBED_DIM), jnp.float32)] * _NB
            + [pltpu.SemaphoreType.DMA] * (2 * _NB)
        ),
        compiler_params=pltpu.CompilerParams(
            disable_bounds_checks=True,
            disable_semaphore_checks=True,
        ),
    )
    def k(idx_hbm, table_hbm, out_hbm, idx_v, *rest):
        bufs = rest[:_NB]
        gsems = rest[_NB:2 * _NB]
        osems = rest[2 * _NB:]

        wid = lax.axis_index("s") * _NC + lax.axis_index("c")
        base = wid * _BATCH_PER_W
        pltpu.sync_copy(idx_hbm.at[wid], idx_v)

        def gather_start(c, b):
            pltpu.async_copy(
                table_hbm.at[idx_v.at[pl.ds(c * _ROWS_PER_C, _ROWS_PER_C)]],
                bufs[b], gsems[b],
            )

        def gather_wait(b):
            pltpu.make_async_copy(
                table_hbm.at[idx_v.at[pl.ds(0, _ROWS_PER_C)]], bufs[b], gsems[b]
            ).wait()

        def out_start(c, b):
            for j in range(_FPC):
                pltpu.async_copy(
                    bufs[b].at[pl.ds(j * _BATCH_PER_W, _BATCH_PER_W)],
                    out_hbm.at[pl.ds((c * _FPC + j) * BATCH + base, _BATCH_PER_W)],
                    osems[b],
                )

        def out_wait(b):
            for _ in range(_FPC):
                pltpu.make_async_copy(
                    bufs[b].at[pl.ds(0, _BATCH_PER_W)],
                    out_hbm.at[pl.ds(base, _BATCH_PER_W)],
                    osems[b],
                ).wait()

        out_pending = [False] * _NB

        def drain_out(b):
            if out_pending[b]:
                out_wait(b)
                out_pending[b] = False

        for c in range(min(_LA, _N_CHUNKS)):
            gather_start(c, c % _NB)
        for c in range(_N_CHUNKS):
            b = c % _NB
            gather_wait(b)
            out_start(c, b)
            out_pending[b] = True
            nc = c + _LA
            if nc < _N_CHUNKS:
                bn = nc % _NB
                drain_out(bn)
                gather_start(nc, bn)
        for b in range(_NB):
            drain_out(b)

    return k(idx, table)


def kernel(X, table):
    idx = X.astype(jnp.int32).reshape(_NW, _BATCH_PER_W, N_FIELDS)
    idx = idx.transpose(0, 2, 1).reshape(_NW, N_FIELDS * _BATCH_PER_W)
    out = _sc_gather(idx, table)
    return out.reshape(N_FIELDS, BATCH, EMBED_DIM).transpose(1, 0, 2)

# --- scband reference (transcript-rebuilt; emitter-appended) ---
"""Pipeline reference for scband-feature-embedding-65738769433065 (READ-ONLY COPY).

The authoritative reference and input builder live on the scoring server;
editing this copy changes nothing except your own understanding.
"""

import jax, jax.numpy as jnp
import numpy as np

NUM_FEATURES = 100000
EMBED_DIM = 128
BATCH = 4096
N_FIELDS = 26

def setup_inputs(seed: int = 0) -> dict:
    key = jax.random.key(seed)
    k1, k2 = jax.random.split(key)
    X = jax.random.randint(k1, (BATCH, N_FIELDS), 0, NUM_FEATURES, dtype=jnp.int64 if jax.config.jax_enable_x64 else jnp.int32)
    table = jax.random.normal(k2, (NUM_FEATURES, EMBED_DIM), dtype=jnp.float32)
    return {"X": X, "table": table}

def reference(X, table):
    # nn.Embedding forward: gather rows of the embedding table
    return jnp.take(table, X, axis=0)

if __name__ == "__main__":
    import jax
    _d = setup_inputs()
    print(jax.jit(kernel)(*tuple(_d.values())))

</pallas_src>

<mosaic_0001>
#map = affine_map<(d0, d1) -> (0, 0)>
module attributes {stable_mosaic.version = 14 : i64} {
  func.func @k(%arg0: i32, %arg1: i32, %arg2: memref<32x3328xi32, #tpu.memory_space<hbm>>, %arg3: memref<100000x128xf32, #tpu.memory_space<hbm>>, %arg4: memref<106496x128xf32, #tpu.memory_space<hbm>>, %arg5: memref<3328xi32, #tpu.memory_space<vmem>>, %arg6: memref<256x128xf32, #tpu.memory_space<vmem>>, %arg7: memref<256x128xf32, #tpu.memory_space<vmem>>, %arg8: memref<256x128xf32, #tpu.memory_space<vmem>>, %arg9: memref<!tpu.dma_semaphore, #tpu.memory_space<semaphore_mem>>, %arg10: memref<!tpu.dma_semaphore, #tpu.memory_space<semaphore_mem>>, %arg11: memref<!tpu.dma_semaphore, #tpu.memory_space<semaphore_mem>>, %arg12: memref<!tpu.dma_semaphore, #tpu.memory_space<semaphore_mem>>, %arg13: memref<!tpu.dma_semaphore, #tpu.memory_space<semaphore_mem>>, %arg14: memref<!tpu.dma_semaphore, #tpu.memory_space<semaphore_mem>>) attributes {dimension_semantics = [#tpu.dimension_semantics<core_parallel>, #tpu.dimension_semantics<subcore_parallel>], iteration_bounds = array<i64: 2, 16>, scalar_prefetch = 0 : i64, scratch_operands = 10 : i64, tpu.core_type = #tpu.core_type<sc_vector_subcore>, window_params = [{transform_indices = #map}, {transform_indices = #map}, {transform_indices = #map}]} {
    %mul3A = arith.constant 2 : i32
    %mul3A_0 = arith.muli %arg1, %mul3A : i32
    %add3A = arith.addi %mul3A_0, %arg0 : i32
    %mul3A_1 = arith.constant 128 : i32
    %mul3A_2 = arith.muli %add3A, %mul3A_1 : i32
    "tpu.region"() ({
      %run_scoped3A = tpu.sem_alloc : memref<!tpu.dma_semaphore, #tpu.memory_space<semaphore_mem>>
      %dma_start3A_703 = arith.constant 0 : i32
      %dma_start3A_704 = tpu.memref_slice %arg2[%add3A, %dma_start3A_703] : memref<32x3328xi32, #tpu.memory_space<hbm>> -> memref<1x3328xi32, #tpu.memory_space<hbm>>
      %dma_start3A_705 = tpu.memref_squeeze %dma_start3A_704 : memref<1x3328xi32, #tpu.memory_space<hbm>> -> memref<3328xi32, #tpu.memory_space<hbm>>
      %dma_start3A_706 = arith.constant 0 : i32
      %dma_start3A_707 = tpu.memref_slice %arg2[%add3A, %dma_start3A_706] : memref<32x3328xi32, #tpu.memory_space<hbm>> -> memref<1x3328xi32, #tpu.memory_space<hbm>>
      %dma_start3A_708 = tpu.memref_squeeze %dma_start3A_707 : memref<1x3328xi32, #tpu.memory_space<hbm>> -> memref<3328xi32, #tpu.memory_space<hbm>>
      tpu.enqueue_dma source(%dma_start3A_708 : memref<3328xi32, #tpu.memory_space<hbm>>) target(%arg5 : memref<3328xi32, #tpu.memory_space<vmem>>) target_semaphore(%run_scoped3A : memref<!tpu.dma_semaphore, #tpu.memory_space<semaphore_mem>>)
      %dma_wait3A_709 = arith.constant 0 : i32
      %dma_wait3A_710 = tpu.memref_slice %arg2[%add3A, %dma_wait3A_709] : memref<32x3328xi32, #tpu.memory_space<hbm>> -> memref<1x3328xi32, #tpu.memory_space<hbm>>
      %dma_wait3A_711 = tpu.memref_squeeze %dma_wait3A_710 : memref<1x3328xi32, #tpu.memory_space<hbm>> -> memref<3328xi32, #tpu.memory_space<hbm>>
      %dma_wait3A_712 = arith.constant 0 : i32
      %dma_wait3A_713 = tpu.memref_slice %arg2[%add3A, %dma_wait3A_712] : memref<32x3328xi32, #tpu.memory_space<hbm>> -> memref<1x3328xi32, #tpu.memory_space<hbm>>
      %dma_wait3A_714 = tpu.memref_squeeze %dma_wait3A_713 : memref<1x3328xi32, #tpu.memory_space<hbm>> -> memref<3328xi32, #tpu.memory_space<hbm>>
      tpu.wait_dma2 semaphore(%run_scoped3A : memref<!tpu.dma_semaphore, #tpu.memory_space<semaphore_mem>>) src(%dma_wait3A_714 : memref<3328xi32, #tpu.memory_space<hbm>>) dst(%arg5 : memref<3328xi32, #tpu.memory_space<vmem>>)
      tpu.yield
    }) : () -> ()
    %dma_start3A = arith.constant 0 : i32
    %dma_start3A_3 = tpu.memref_slice %arg5[%dma_start3A] : memref<3328xi32, #tpu.memory_space<vmem>> -> memref<256xi32, #tpu.memory_space<vmem>>
    %dma_start3A_4 = arith.constant 0 : i32
    %dma_start3A_5 = arith.constant 0 : i32
    %dma_start3A_6 = tpu.memref_slice %arg3[%dma_start3A_4, %dma_start3A_5] : memref<100000x128xf32, #tpu.memory_space<hbm>> -> memref<100000x128xf32, #tpu.memory_space<hbm>>
    tpu.enqueue_indirect_dma source(%dma_start3A_6 : memref<100000x128xf32, #tpu.memory_space<hbm>>) target(%arg6 : memref<256x128xf32, #tpu.memory_space<vmem>>) offsets(%dma_start3A_3 : memref<256xi32, #tpu.memory_space<vmem>>) semaphore(%arg9 : memref<!tpu.dma_semaphore, #tpu.memory_space<semaphore_mem>>)
    %dma_start3A_7 = arith.constant 256 : i32
    %dma_start3A_8 = tpu.memref_slice %arg5[%dma_start3A_7] : memref<3328xi32, #tpu.memory_space<vmem>> -> memref<256xi32, #tpu.memory_space<vmem>>
    %dma_start3A_9 = arith.constant 0 : i32
    %dma_start3A_10 = arith.constant 0 : i32
    %dma_start3A_11 = tpu.memref_slice %arg3[%dma_start3A_9, %dma_start3A_10] : memref<100000x128xf32, #tpu.memory_space<hbm>> -> memref<100000x128xf32, #tpu.memory_space<hbm>>
    tpu.enqueue_indirect_dma source(%dma_start3A_11 : memref<100000x128xf32, #tpu.memory_space<hbm>>) target(%arg7 : memref<256x128xf32, #tpu.memory_space<vmem>>) offsets(%dma_start3A_8 : memref<256xi32, #tpu.memory_space<vmem>>) semaphore(%arg10 : memref<!tpu.dma_semaphore, #tpu.memory_space<semaphore_mem>>)
    %dma_wait3A = arith.constant 0 : i32
    %dma_wait3A_12 = tpu.memref_slice %arg5[%dma_wait3A] : memref<3328xi32, #tpu.memory_space<vmem>> -> memref<256xi32, #tpu.memory_space<vmem>>
    %dma_wait3A_13 = arith.constant 0 : i32
    %dma_wait3A_14 = arith.constant 0 : i32
    %dma_wait3A_15 = tpu.memref_slice %arg3[%dma_wait3A_13, %dma_wait3A_14] : memref<100000x128xf32, #tpu.memory_space<hbm>> -> memref<100000x128xf32, #tpu.memory_space<hbm>>
    tpu.wait_indirect_dma semaphore(%arg9 : memref<!tpu.dma_semaphore, #tpu.memory_space<semaphore_mem>>) src(%dma_wait3A_15 : memref<100000x128xf32, #tpu.memory_space<hbm>>) dst(%arg6 : memref<256x128xf32, #tpu.memory_space<vmem>>)
    %add3A_16 = arith.constant 0 : i32
    %add3A_17 = arith.addi %add3A_16, %mul3A_2 : i32
    %dma_start3A_18 = arith.constant 0 : i32
    %dma_start3A_19 = arith.constant 0 : i32
    %dma_start3A_20 = tpu.memref_slice %arg6[%dma_start3A_18, %dma_start3A_19] : memref<256x128xf32, #tpu.memory_space<vmem>> -> memref<128x128xf32, #tpu.memory_space<vmem>>
    %dma_start3A_21 = arith.constant 0 : i32
    %dma_start3A_22 = tpu.memref_slice %arg4[%add3A_17, %dma_start3A_21] : memref<106496x128xf32, #tpu.memory_space<hbm>> -> memref<128x128xf32, #tpu.memory_space<hbm>>
    %dma_start3A_23 = arith.constant 0 : i32
    %dma_start3A_24 = tpu.memref_slice %arg4[%add3A_17, %dma_start3A_23] : memref<106496x128xf32, #tpu.memory_space<hbm>> -> memref<128x128xf32, #tpu.memory_space<hbm>>
    %dma_start3A_25 = arith.constant 0 : i32
    %dma_start3A_26 = arith.constant 0 : i32
    %dma_start3A_27 = tpu.memref_slice %arg6[%dma_start3A_25, %dma_start3A_26] : memref<256x128xf32, #tpu.memory_space<vmem>> -> memref<128x128xf32, #tpu.memory_space<vmem>>
    tpu.enqueue_dma source(%dma_start3A_27 : memref<128x128xf32, #tpu.memory_space<vmem>>) target(%dma_start3A_24 : memref<128x128xf32, #tpu.memory_space<hbm>>) target_semaphore(%arg12 : memref<!tpu.dma_semaphore, #tpu.memory_space<semaphore_mem>>)
    %add3A_28 = arith.constant 4096 : i32
    %add3A_29 = arith.addi %add3A_28, %mul3A_2 : i32
    %dma_start3A_30 = arith.constant 128 : i32
    %dma_start3A_31 = arith.constant 0 : i32
    %dma_start3A_32 = tpu.memref_slice %arg6[%dma_start3A_30, %dma_start3A_31] : memref<256x128xf32, #tpu.memory_space<vmem>> -> memref<128x128xf32, #tpu.memory_space<vmem>>
    %dma_start3A_33 = arith.constant 0 : i32
    %dma_start3A_34 = tpu.memref_slice %arg4[%add3A_29, %dma_start3A_33] : memref<106496x128xf32, #tpu.memory_space<hbm>> -> memref<128x128xf32, #tpu.memory_space<hbm>>
    %dma_start3A_35 = arith.constant 0 : i32
    %dma_start3A_36 = tpu.memref_slice %arg4[%add3A_29, %dma_start3A_35] : memref<106496x128xf32, #tpu.memory_space<hbm>> -> memref<128x128xf32, #tpu.memory_space<hbm>>
    %dma_start3A_37 = arith.constant 128 : i32
    %dma_start3A_38 = arith.constant 0 : i32
    %dma_start3A_39 = tpu.memref_slice %arg6[%dma_start3A_37, %dma_start3A_38] : memref<256x128xf32, #tpu.memory_space<vmem>> -> memref<128x128xf32, #tpu.memory_space<vmem>>
    tpu.enqueue_dma source(%dma_start3A_39 : memref<128x128xf32, #tpu.memory_space<vmem>>) target(%dma_start3A_36 : memref<128x128xf32, #tpu.memory_space<hbm>>) target_semaphore(%arg12 : memref<!tpu.dma_semaphore, #tpu.memory_space<semaphore_mem>>)
    %dma_start3A_40 = arith.constant 512 : i32
    %dma_start3A_41 = tpu.memref_slice %arg5[%dma_start3A_40] : memref<3328xi32, #tpu.memory_space<vmem>> -> memref<256xi32, #tpu.memory_space<vmem>>
    %dma_start3A_42 = arith.constant 0 : i32
    %dma_start3A_43 = arith.constant 0 : i32
    %dma_start3A_44 = tpu.memref_slice %arg3[%dma_start3A_42, %dma_start3A_43] : memref<100000x128xf32, #tpu.memory_space<hbm>> -> memref<100000x128xf32, #tpu.memory_space<hbm>>
    tpu.enqueue_indirect_dma source(%dma_start3A_44 : memref<100000x128xf32, #tpu.memory_space<hbm>>) target(%arg8 : memref<256x128xf32, #tpu.memory_space<vmem>>) offsets(%dma_start3A_41 : memref<256xi32, #tpu.memory_space<vmem>>) semaphore(%arg11 : memref<!tpu.dma_semaphore, #tpu.memory_space<semaphore_mem>>)
    %dma_wait3A_45 = arith.constant 0 : i32
    %dma_wait3A_46 = tpu.memref_slice %arg5[%dma_wait3A_45] : memref<3328xi32, #tpu.memory_space<vmem>> -> memref<256xi32, #tpu.memory_space<vmem>>
    %dma_wait3A_47 = arith.constant 0 : i32
    %dma_wait3A_48 = arith.constant 0 : i32
    %dma_wait3A_49 = tpu.memref_slice %arg3[%dma_wait3A_47, %dma_wait3A_48] : memref<100000x128xf32, #tpu.memory_space<hbm>> -> memref<100000x128xf32, #tpu.memory_space<hbm>>
    tpu.wait_indirect_dma semaphore(%arg10 : memref<!tpu.dma_semaphore, #tpu.memory_space<semaphore_mem>>) src(%dma_wait3A_49 : memref<100000x128xf32, #tpu.memory_space<hbm>>) dst(%arg7 : memref<256x128xf32, #tpu.memory_space<vmem>>)
    %add3A_50 = arith.constant 8192 : i32
    %add3A_51 = arith.addi %add3A_50, %mul3A_2 : i32
    %dma_start3A_52 = arith.constant 0 : i32
    %dma_start3A_53 = arith.constant 0 : i32
    %dma_start3A_54 = tpu.memref_slice %arg7[%dma_start3A_52, %dma_start3A_53] : memref<256x128xf32, #tpu.memory_space<vmem>> -> memref<128x128xf32, #tpu.memory_space<vmem>>
    %dma_start3A_55 = arith.constant 0 : i32
    %dma_start3A_56 = tpu.memref_slice %arg4[%add3A_51, %dma_start3A_55] : memref<106496x128xf32, #tpu.memory_space<hbm>> -> memref<128x128xf32, #tpu.memory_space<hbm>>
    %dma_start3A_57 = arith.constant 0 : i32
    %dma_start3A_58 = tpu.memref_slice %arg4[%add3A_51, %dma_start3A_57] : memref<106496x128xf32, #tpu.memory_space<hbm>> -> memref<128x128xf32, #tpu.memory_space<hbm>>
    %dma_start3A_59 = arith.constant 0 : i32
    %dma_start3A_60 = arith.constant 0 : i32
    %dma_start3A_61 = tpu.memref_slice %arg7[%dma_start3A_59, %dma_start3A_60] : memref<256x128xf32, #tpu.memory_space<vmem>> -> memref<128x128xf32, #tpu.memory_space<vmem>>
    tpu.enqueue_dma source(%dma_start3A_61 : memref<128x128xf32, #tpu.memory_space<vmem>>) target(%dma_start3A_58 : memref<128x128xf32, #tpu.memory_space<hbm>>) target_semaphore(%arg13 : memref<!tpu.dma_semaphore, #tpu.memory_space<semaphore_mem>>)
    %add3A_62 = arith.constant 12288 : i32
    %add3A_63 = arith.addi %add3A_62, %mul3A_2 : i32
    %dma_start3A_64 = arith.constant 128 : i32
    %dma_start3A_65 = arith.constant 0 : i32
    %dma_start3A_66 = tpu.memref_slice %arg7[%dma_start3A_64, %dma_start3A_65] : memref<256x128xf32, #tpu.memory_space<vmem>> -> memref<128x128xf32, #tpu.memory_space<vmem>>
    %dma_start3A_67 = arith.constant 0 : i32
    %dma_start3A_68 = tpu.memref_slice %arg4[%add3A_63, %dma_start3A_67] : memref<106496x128xf32, #tpu.memory_space<hbm>> -> memref<128x128xf32, #tpu.memory_space<hbm>>
    %dma_start3A_69 = arith.constant 0 : i32
    %dma_start3A_70 = tpu.memref_slice %arg4[%add3A_63, %dma_start3A_69] : memref<106496x128xf32, #tpu.memory_space<hbm>> -> memref<128x128xf32, #tpu.memory_space<hbm>>
    %dma_start3A_71 = arith.constant 128 : i32
    %dma_start3A_72 = arith.constant 0 : i32
    %dma_start3A_73 = tpu.memref_slice %arg7[%dma_start3A_71, %dma_start3A_72] : memref<256x128xf32, #tpu.memory_space<vmem>> -> memref<128x128xf32, #tpu.memory_space<vmem>>
    tpu.enqueue_dma source(%dma_start3A_73 : memref<128x128xf32, #tpu.memory_space<vmem>>) target(%dma_start3A_70 : memref<128x128xf32, #tpu.memory_space<hbm>>) target_semaphore(%arg13 : memref<!tpu.dma_semaphore, #tpu.memory_space<semaphore_mem>>)
    %dma_wait3A_74 = arith.constant 0 : i32
    %dma_wait3A_75 = arith.constant 0 : i32
    %dma_wait3A_76 = tpu.memref_slice %arg6[%dma_wait3A_74, %dma_wait3A_75] : memref<256x128xf32, #tpu.memory_space<vmem>> -> memref<128x128xf32, #tpu.memory_space<vmem>>
    %dma_wait3A_77 = arith.constant 0 : i32
    %dma_wait3A_78 = tpu.memref_slice %arg4[%mul3A_2, %dma_wait3A_77] : memref<106496x128xf32, #tpu.memory_space<hbm>> -> memref<128x128xf32, #tpu.memory_space<hbm>>
    %dma_wait3A_79 = arith.constant 0 : i32
    %dma_wait3A_80 = tpu.memref_slice %arg4[%mul3A_2, %dma_wait3A_79] : memref<106496x128xf32, #tpu.memory_space<hbm>> -> memref<128x128xf32, #tpu.memory_space<hbm>>
    %dma_wait3A_81 = arith.constant 0 : i32
    %dma_wait3A_82 = arith.constant 0 : i32
    %dma_wait3A_83 = tpu.memref_slice %arg6[%dma_wait3A_81, %dma_wait3A_82] : memref<256x128xf32, #tpu.memory_space<vmem>> -> memref<128x128xf32, #tpu.memory_space<vmem>>
    tpu.wait_dma2 semaphore(%arg12 : memref<!tpu.dma_semaphore, #tpu.memory_space<semaphore_mem>>) src(%dma_wait3A_83 : memref<128x128xf32, #tpu.memory_space<vmem>>) dst(%dma_wait3A_80 : memref<128x128xf32, #tpu.memory_space<hbm>>)
    %dma_wait3A_84 = arith.constant 0 : i32
    %dma_wait3A_85 = arith.constant 0 : i32
    %dma_wait3A_86 = tpu.memref_slice %arg6[%dma_wait3A_84, %dma_wait3A_85] : memref<256x128xf32, #tpu.memory_space<vmem>> -> memref<128x128xf32, #tpu.memory_space<vmem>>
    %dma_wait3A_87 = arith.constant 0 : i32
    %dma_wait3A_88 = tpu.memref_slice %arg4[%mul3A_2, %dma_wait3A_87] : memref<106496x128xf32, #tpu.memory_space<hbm>> -> memref<128x128xf32, #tpu.memory_space<hbm>>
    %dma_wait3A_89 = arith.constant 0 : i32
    %dma_wait3A_90 = tpu.memref_slice %arg4[%mul3A_2, %dma_wait3A_89] : memref<106496x128xf32, #tpu.memory_space<hbm>> -> memref<128x128xf32, #tpu.memory_space<hbm>>
    %dma_wait3A_91 = arith.constant 0 : i32
    %dma_wait3A_92 = arith.constant 0 : i32
    %dma_wait3A_93 = tpu.memref_slice %arg6[%dma_wait3A_91, %dma_wait3A_92] : memref<256x128xf32, #tpu.memory_space<vmem>> -> memref<128x128xf32, #tpu.memory_space<vmem>>
    tpu.wait_dma2 semaphore(%arg12 : memref<!tpu.dma_semaphore, #tpu.memory_space<semaphore_mem>>) src(%dma_wait3A_93 : memref<128x128xf32, #tpu.memory_space<vmem>>) dst(%dma_wait3A_90 : memref<128x128xf32, #tpu.memory_space<hbm>>)
    %dma_start3A_94 = arith.constant 768 : i32
    %dma_start3A_95 = tpu.memref_slice %arg5[%dma_start3A_94] : memref<3328xi32, #tpu.memory_space<vmem>> -> memref<256xi32, #tpu.memory_space<vmem>>
    %dma_start3A_96 = arith.constant 0 : i32
    %dma_start3A_97 = arith.constant 0 : i32
    %dma_start3A_98 = tpu.memref_slice %arg3[%dma_start3A_96, %dma_start3A_97] : memref<100000x128xf32, #tpu.memory_space<hbm>> -> memref<100000x128xf32, #tpu.memory_space<hbm>>
    tpu.enqueue_indirect_dma source(%dma_start3A_98 : memref<100000x128xf32, #tpu.memory_space<hbm>>) target(%arg6 : memref<256x128xf32, #tpu.memory_space<vmem>>) offsets(%dma_start3A_95 : memref<256xi32, #tpu.memory_space<vmem>>) semaphore(%arg9 : memref<!tpu.dma_semaphore, #tpu.memory_space<semaphore_mem>>)
    %dma_wait3A_99 = arith.constant 0 : i32
    %dma_wait3A_100 = tpu.memref_slice %arg5[%dma_wait3A_99] : memref<3328xi32, #tpu.memory_space<vmem>> -> memref<256xi32, #tpu.memory_space<vmem>>
    %dma_wait3A_101 = arith.constant 0 : i32
    %dma_wait3A_102 = arith.constant 0 : i32
    %dma_wait3A_103 = tpu.memref_slice %arg3[%dma_wait3A_101, %dma_wait3A_102] : memref<100000x128xf32, #tpu.memory_space<hbm>> -> memref<100000x128xf32, #tpu.memory_space<hbm>>
    tpu.wait_indirect_dma semaphore(%arg11 : memref<!tpu.dma_semaphore, #tpu.memory_space<semaphore_mem>>) src(%dma_wait3A_103 : memref<100000x128xf32, #tpu.memory_space<hbm>>) dst(%arg8 : memref<256x128xf32, #tpu.memory_space<vmem>>)
    %add3A_104 = arith.constant 16384 : i32
    %add3A_105 = arith.addi %add3A_104, %mul3A_2 : i32
    %dma_start3A_106 = arith.constant 0 : i32
    %dma_start3A_107 = arith.constant 0 : i32
    %dma_start3A_108 = tpu.memref_slice %arg8[%dma_start3A_106, %dma_start3A_107] : memref<256x128xf32, #tpu.memory_space<vmem>> -> memref<128x128xf32, #tpu.memory_space<vmem>>
    %dma_start3A_109 = arith.constant 0 : i32
    %dma_start3A_110 = tpu.memref_slice %arg4[%add3A_105, %dma_start3A_109] : memref<106496x128xf32, #tpu.memory_space<hbm>> -> memref<128x128xf32, #tpu.memory_space<hbm>>
    %dma_start3A_111 = arith.constant 0 : i32
    %dma_start3A_112 = tpu.memref_slice %arg4[%add3A_105, %dma_start3A_111] : memref<106496x128xf32, #tpu.memory_space<hbm>> -> memref<128x128xf32, #tpu.memory_space<hbm>>
    %dma_start3A_113 = arith.constant 0 : i32
    %dma_start3A_114 = arith.constant 0 : i32
    %dma_start3A_115 = tpu.memref_slice %arg8[%dma_start3A_113, %dma_start3A_114] : memref<256x128xf32, #tpu.memory_space<vmem>> -> memref<128x128xf32, #tpu.memory_space<vmem>>
    tpu.enqueue_dma source(%dma_start3A_115 : memref<128x128xf32, #tpu.memory_space<vmem>>) target(%dma_start3A_112 : memref<128x128xf32, #tpu.memory_space<hbm>>) target_semaphore(%arg14 : memref<!tpu.dma_semaphore, #tpu.memory_space<semaphore_mem>>)
    %add3A_116 = arith.constant 20480 : i32
    %add3A_117 = arith.addi %add3A_116, %mul3A_2 : i32
    %dma_start3A_118 = arith.constant 128 : i32
    %dma_start3A_119 = arith.constant 0 : i32
    %dma_start3A_120 = tpu.memref_slice %arg8[%dma_start3A_118, %dma_start3A_119] : memref<256x128xf32, #tpu.memory_space<vmem>> -> memref<128x128xf32, #tpu.memory_space<vmem>>
    %dma_start3A_121 = arith.constant 0 : i32
    %dma_start3A_122 = tpu.memref_slice %arg4[%add3A_117, %dma_start3A_121] : memref<106496x128xf32, #tpu.memory_space<hbm>> -> memref<128x128xf32, #tpu.memory_space<hbm>>
    %dma_start3A_123 = arith.constant 0 : i32
    %dma_start3A_124 = tpu.memref_slice %arg4[%add3A_117, %dma_start3A_123] : memref<106496x128xf32, #tpu.memory_space<hbm>> -> memref<128x128xf32, #tpu.memory_space<hbm>>
    %dma_start3A_125 = arith.constant 128 : i32
    %dma_start3A_126 = arith.constant 0 : i32
    %dma_start3A_127 = tpu.memref_slice %arg8[%dma_start3A_125, %dma_start3A_126] : memref<256x128xf32, #tpu.memory_space<vmem>> -> memref<128x128xf32, #tpu.memory_space<vmem>>
    tpu.enqueue_dma source(%dma_start3A_127 : memref<128x128xf32, #tpu.memory_space<vmem>>) target(%dma_start3A_124 : memref<128x128xf32, #tpu.memory_space<hbm>>) target_semaphore(%arg14 : memref<!tpu.dma_semaphore, #tpu.memory_space<semaphore_mem>>)
    %dma_wait3A_128 = arith.constant 0 : i32
    %dma_wait3A_129 = arith.constant 0 : i32
    %dma_wait3A_130 = tpu.memref_slice %arg7[%dma_wait3A_128, %dma_wait3A_129] : memref<256x128xf32, #tpu.memory_space<vmem>> -> memref<128x128xf32, #tpu.memory_space<vmem>>
    %dma_wait3A_131 = arith.constant 0 : i32
    %dma_wait3A_132 = tpu.memref_slice %arg4[%mul3A_2, %dma_wait3A_131] : memref<106496x128xf32, #tpu.memory_space<hbm>> -> memref<128x128xf32, #tpu.memory_space<hbm>>
    %dma_wait3A_133 = arith.constant 0 : i32
    %dma_wait3A_134 = tpu.memref_slice %arg4[%mul3A_2, %dma_wait3A_133] : memref<106496x128xf32, #tpu.memory_space<hbm>> -> memref<128x128xf32, #tpu.memory_space<hbm>>
    %dma_wait3A_135 = arith.constant 0 : i32
    %dma_wait3A_136 = arith.constant 0 : i32
    %dma_wait3A_137 = tpu.memref_slice %arg7[%dma_wait3A_135, %dma_wait3A_136] : memref<256x128xf32, #tpu.memory_space<vmem>> -> memref<128x128xf32, #tpu.memory_space<vmem>>
    tpu.wait_dma2 semaphore(%arg13 : memref<!tpu.dma_semaphore, #tpu.memory_space<semaphore_mem>>) src(%dma_wait3A_137 : memref<128x128xf32, #tpu.memory_space<vmem>>) dst(%dma_wait3A_134 : memref<128x128xf32, #tpu.memory_space<hbm>>)
    %dma_wait3A_138 = arith.constant 0 : i32
    %dma_wait3A_139 = arith.constant 0 : i32
    %dma_wait3A_140 = tpu.memref_slice %arg7[%dma_wait3A_138, %dma_wait3A_139] : memref<256x128xf32, #tpu.memory_space<vmem>> -> memref<128x128xf32, #tpu.memory_space<vmem>>
    %dma_wait3A_141 = arith.constant 0 : i32
    %dma_wait3A_142 = tpu.memref_slice %arg4[%mul3A_2, %dma_wait3A_141] : memref<106496x128xf32, #tpu.memory_space<hbm>> -> memref<128x128xf32, #tpu.memory_space<hbm>>
    %dma_wait3A_143 = arith.constant 0 : i32
    %dma_wait3A_144 = tpu.memref_slice %arg4[%mul3A_2, %dma_wait3A_143] : memref<106496x128xf32, #tpu.memory_space<hbm>> -> memref<128x128xf32, #tpu.memory_space<hbm>>
    %dma_wait3A_145 = arith.constant 0 : i32
    %dma_wait3A_146 = arith.constant 0 : i32
    %dma_wait3A_147 = tpu.memref_slice %arg7[%dma_wait3A_145, %dma_wait3A_146] : memref<256x128xf32, #tpu.memory_space<vmem>> -> memref<128x128xf32, #tpu.memory_space<vmem>>
    tpu.wait_dma2 semaphore(%arg13 : memref<!tpu.dma_semaphore, #tpu.memory_space<semaphore_mem>>) src(%dma_wait3A_147 : memref<128x128xf32, #tpu.memory_space<vmem>>) dst(%dma_wait3A_144 : memref<128x128xf32, #tpu.memory_space<hbm>>)
    %dma_start3A_148 = arith.constant 1024 : i32
    %dma_start3A_149 = tpu.memref_slice %arg5[%dma_start3A_148] : memref<3328xi32, #tpu.memory_space<vmem>> -> memref<256xi32, #tpu.memory_space<vmem>>
    %dma_start3A_150 = arith.constant 0 : i32
    %dma_start3A_151 = arith.constant 0 : i32
    %dma_start3A_152 = tpu.memref_slice %arg3[%dma_start3A_150, %dma_start3A_151] : memref<100000x128xf32, #tpu.memory_space<hbm>> -> memref<100000x128xf32, #tpu.memory_space<hbm>>
    tpu.enqueue_indirect_dma source(%dma_start3A_152 : memref<100000x128xf32, #tpu.memory_space<hbm>>) target(%arg7 : memref<256x128xf32, #tpu.memory_space<vmem>>) offsets(%dma_start3A_149 : memref<256xi32, #tpu.memory_space<vmem>>) semaphore(%arg10 : memref<!tpu.dma_semaphore, #tpu.memory_space<semaphore_mem>>)
    %dma_wait3A_153 = arith.constant 0 : i32
    %dma_wait3A_154 = tpu.memref_slice %arg5[%dma_wait3A_153] : memref<3328xi32, #tpu.memory_space<vmem>> -> memref<256xi32, #tpu.memory_space<vmem>>
    %dma_wait3A_155 = arith.constant 0 : i32
    %dma_wait3A_156 = arith.constant 0 : i32
    %dma_wait3A_157 = tpu.memref_slice %arg3[%dma_wait3A_155, %dma_wait3A_156] : memref<100000x128xf32, #tpu.memory_space<hbm>> -> memref<100000x128xf32, #tpu.memory_space<hbm>>
    tpu.wait_indirect_dma semaphore(%arg9 : memref<!tpu.dma_semaphore, #tpu.memory_space<semaphore_mem>>) src(%dma_wait3A_157 : memref<100000x128xf32, #tpu.memory_space<hbm>>) dst(%arg6 : memref<256x128xf32, #tpu.memory_space<vmem>>)
    %add3A_158 = arith.constant 24576 : i32
    %add3A_159 = arith.addi %add3A_158, %mul3A_2 : i32
    %dma_start3A_160 = arith.constant 0 : i32
    %dma_start3A_161 = arith.constant 0 : i32
    %dma_start3A_162 = tpu.memref_slice %arg6[%dma_start3A_160, %dma_start3A_161] : memref<256x128xf32, #tpu.memory_space<vmem>> -> memref<128x128xf32, #tpu.memory_space<vmem>>
    %dma_start3A_163 = arith.constant 0 : i32
    %dma_start3A_164 = tpu.memref_slice %arg4[%add3A_159, %dma_start3A_163] : memref<106496x128xf32, #tpu.memory_space<hbm>> -> memref<128x128xf32, #tpu.memory_space<hbm>>
    %dma_start3A_165 = arith.constant 0 : i32
    %dma_start3A_166 = tpu.memref_slice %arg4[%add3A_159, %dma_start3A_165] : memref<106496x128xf32, #tpu.memory_space<hbm>> -> memref<128x128xf32, #tpu.memory_space<hbm>>
    %dma_start3A_167 = arith.constant 0 : i32
    %dma_start3A_168 = arith.constant 0 : i32
    %dma_start3A_169 = tpu.memref_slice %arg6[%dma_start3A_167, %dma_start3A_168] : memref<256x128xf32, #tpu.memory_space<vmem>> -> memref<128x128xf32, #tpu.memory_space<vmem>>
    tpu.enqueue_dma source(%dma_start3A_169 : memref<128x128xf32, #tpu.memory_space<vmem>>) target(%dma_start3A_166 : memref<128x128xf32, #tpu.memory_space<hbm>>) target_semaphore(%arg12 : memref<!tpu.dma_semaphore, #tpu.memory_space<semaphore_mem>>)
    %add3A_170 = arith.constant 28672 : i32
    %add3A_171 = arith.addi %add3A_170, %mul3A_2 : i32
    %dma_start3A_172 = arith.constant 128 : i32
    %dma_start3A_173 = arith.constant 0 : i32
    %dma_start3A_174 = tpu.memref_slice %arg6[%dma_start3A_172, %dma_start3A_173] : memref<256x128xf32, #tpu.memory_space<vmem>> -> memref<128x128xf32, #tpu.memory_space<vmem>>
    %dma_start3A_175 = arith.constant 0 : i32
    %dma_start3A_176 = tpu.memref_slice %arg4[%add3A_171, %dma_start3A_175] : memref<106496x128xf32, #tpu.memory_space<hbm>> -> memref<128x128xf32, #tpu.memory_space<hbm>>
    %dma_start3A_177 = arith.constant 0 : i32
    %dma_start3A_178 = tpu.memref_slice %arg4[%add3A_171, %dma_start3A_177] : memref<106496x128xf32, #tpu.memory_space<hbm>> -> memref<128x128xf32, #tpu.memory_space<hbm>>
    %dma_start3A_179 = arith.constant 128 : i32
    %dma_start3A_180 = arith.constant 0 : i32
    %dma_start3A_181 = tpu.memref_slice %arg6[%dma_start3A_179, %dma_start3A_180] : memref<256x128xf32, #tpu.memory_space<vmem>> -> memref<128x128xf32, #tpu.memory_space<vmem>>
    tpu.enqueue_dma source(%dma_start3A_181 : memref<128x128xf32, #tpu.memory_space<vmem>>) target(%dma_start3A_178 : memref<128x128xf32, #tpu.memory_space<hbm>>) target_semaphore(%arg12 : memref<!tpu.dma_semaphore, #tpu.memory_space<semaphore_mem>>)
    %dma_wait3A_182 = arith.constant 0 : i32
    %dma_wait3A_183 = arith.constant 0 : i32
    %dma_wait3A_184 = tpu.memref_slice %arg8[%dma_wait3A_182, %dma_wait3A_183] : memref<256x128xf32, #tpu.memory_space<vmem>> -> memref<128x128xf32, #tpu.memory_space<vmem>>
    %dma_wait3A_185 = arith.constant 0 : i32
    %dma_wait3A_186 = tpu.memref_slice %arg4[%mul3A_2, %dma_wait3A_185] : memref<106496x128xf32, #tpu.memory_space<hbm>> -> memref<128x128xf32, #tpu.memory_space<hbm>>
    %dma_wait3A_187 = arith.constant 0 : i32
    %dma_wait3A_188 = tpu.memref_slice %arg4[%mul3A_2, %dma_wait3A_187] : memref<106496x128xf32, #tpu.memory_space<hbm>> -> memref<128x128xf32, #tpu.memory_space<hbm>>
    %dma_wait3A_189 = arith.constant 0 : i32
    %dma_wait3A_190 = arith.constant 0 : i32
    %dma_wait3A_191 = tpu.memref_slice %arg8[%dma_wait3A_189, %dma_wait3A_190] : memref<256x128xf32, #tpu.memory_space<vmem>> -> memref<128x128xf32, #tpu.memory_space<vmem>>
    tpu.wait_dma2 semaphore(%arg14 : memref<!tpu.dma_semaphore, #tpu.memory_space<semaphore_mem>>) src(%dma_wait3A_191 : memref<128x128xf32, #tpu.memory_space<vmem>>) dst(%dma_wait3A_188 : memref<128x128xf32, #tpu.memory_space<hbm>>)
    %dma_wait3A_192 = arith.constant 0 : i32
    %dma_wait3A_193 = arith.constant 0 : i32
    %dma_wait3A_194 = tpu.memref_slice %arg8[%dma_wait3A_192, %dma_wait3A_193] : memref<256x128xf32, #tpu.memory_space<vmem>> -> memref<128x128xf32, #tpu.memory_space<vmem>>
    %dma_wait3A_195 = arith.constant 0 : i32
    %dma_wait3A_196 = tpu.memref_slice %arg4[%mul3A_2, %dma_wait3A_195] : memref<106496x128xf32, #tpu.memory_space<hbm>> -> memref<128x128xf32, #tpu.memory_space<hbm>>
    %dma_wait3A_197 = arith.constant 0 : i32
    %dma_wait3A_198 = tpu.memref_slice %arg4[%mul3A_2, %dma_wait3A_197] : memref<106496x128xf32, #tpu.memory_space<hbm>> -> memref<128x128xf32, #tpu.memory_space<hbm>>
    %dma_wait3A_199 = arith.constant 0 : i32
    %dma_wait3A_200 = arith.constant 0 : i32
    %dma_wait3A_201 = tpu.memref_slice %arg8[%dma_wait3A_199, %dma_wait3A_200] : memref<256x128xf32, #tpu.memory_space<vmem>> -> memref<128x128xf32, #tpu.memory_space<vmem>>
    tpu.wait_dma2 semaphore(%arg14 : memref<!tpu.dma_semaphore, #tpu.memory_space<semaphore_mem>>) src(%dma_wait3A_201 : memref<128x128xf32, #tpu.memory_space<vmem>>) dst(%dma_wait3A_198 : memref<128x128xf32, #tpu.memory_space<hbm>>)
    %dma_start3A_202 = arith.constant 1280 : i32
    %dma_start3A_203 = tpu.memref_slice %arg5[%dma_start3A_202] : memref<3328xi32, #tpu.memory_space<vmem>> -> memref<256xi32, #tpu.memory_space<vmem>>
    %dma_start3A_204 = arith.constant 0 : i32
    %dma_start3A_205 = arith.constant 0 : i32
    %dma_start3A_206 = tpu.memref_slice %arg3[%dma_start3A_204, %dma_start3A_205] : memref<100000x128xf32, #tpu.memory_space<hbm>> -> memref<100000x128xf32, #tpu.memory_space<hbm>>
    tpu.enqueue_indirect_dma source(%dma_start3A_206 : memref<100000x128xf32, #tpu.memory_space<hbm>>) target(%arg8 : memref<256x128xf32, #tpu.memory_space<vmem>>) offsets(%dma_start3A_203 : memref<256xi32, #tpu.memory_space<vmem>>) semaphore(%arg11 : memref<!tpu.dma_semaphore, #tpu.memory_space<semaphore_mem>>)
    %dma_wait3A_207 = arith.constant 0 : i32
    %dma_wait3A_208 = tpu.memref_slice %arg5[%dma_wait3A_207] : memref<3328xi32, #tpu.memory_space<vmem>> -> memref<256xi32, #tpu.memory_space<vmem>>
    %dma_wait3A_209 = arith.constant 0 : i32
    %dma_wait3A_210 = arith.constant 0 : i32
    %dma_wait3A_211 = tpu.memref_slice %arg3[%dma_wait3A_209, %dma_wait3A_210] : memref<100000x128xf32, #tpu.memory_space<hbm>> -> memref<100000x128xf32, #tpu.memory_space<hbm>>
    tpu.wait_indirect_dma semaphore(%arg10 : memref<!tpu.dma_semaphore, #tpu.memory_space<semaphore_mem>>) src(%dma_wait3A_211 : memref<100000x128xf32, #tpu.memory_space<hbm>>) dst(%arg7 : memref<256x128xf32, #tpu.memory_space<vmem>>)
    %add3A_212 = arith.constant 32768 : i32
    %add3A_213 = arith.addi %add3A_212, %mul3A_2 : i32
    %dma_start3A_214 = arith.constant 0 : i32
    %dma_start3A_215 = arith.constant 0 : i32
    %dma_start3A_216 = tpu.memref_slice %arg7[%dma_start3A_214, %dma_start3A_215] : memref<256x128xf32, #tpu.memory_space<vmem>> -> memref<128x128xf32, #tpu.memory_space<vmem>>
    %dma_start3A_217 = arith.constant 0 : i32
    %dma_start3A_218 = tpu.memref_slice %arg4[%add3A_213, %dma_start3A_217] : memref<106496x128xf32, #tpu.memory_space<hbm>> -> memref<128x128xf32, #tpu.memory_space<hbm>>
    %dma_start3A_219 = arith.constant 0 : i32
    %dma_start3A_220 = tpu.memref_slice %arg4[%add3A_213, %dma_start3A_219] : memref<106496x128xf32, #tpu.memory_space<hbm>> -> memref<128x128xf32, #tpu.memory_space<hbm>>
    %dma_start3A_221 = arith.constant 0 : i32
    %dma_start3A_222 = arith.constant 0 : i32
    %dma_start3A_223 = tpu.memref_slice %arg7[%dma_start3A_221, %dma_start3A_222] : memref<256x128xf32, #tpu.memory_space<vmem>> -> memref<128x128xf32, #tpu.memory_space<vmem>>
    tpu.enqueue_dma source(%dma_start3A_223 : memref<128x128xf32, #tpu.memory_space<vmem>>) target(%dma_start3A_220 : memref<128x128xf32, #tpu.memory_space<hbm>>) target_semaphore(%arg13 : memref<!tpu.dma_semaphore, #tpu.memory_space<semaphore_mem>>)
    %add3A_224 = arith.constant 36864 : i32
    %add3A_225 = arith.addi %add3A_224, %mul3A_2 : i32
    %dma_start3A_226 = arith.constant 128 : i32
    %dma_start3A_227 = arith.constant 0 : i32
    %dma_start3A_228 = tpu.memref_slice %arg7[%dma_start3A_226, %dma_start3A_227] : memref<256x128xf32, #tpu.memory_space<vmem>> -> memref<128x128xf32, #tpu.memory_space<vmem>>
    %dma_start3A_229 = arith.constant 0 : i32
    %dma_start3A_230 = tpu.memref_slice %arg4[%add3A_225, %dma_start3A_229] : memref<106496x128xf32, #tpu.memory_space<hbm>> -> memref<128x128xf32, #tpu.memory_space<hbm>>
    %dma_start3A_231 = arith.constant 0 : i32
    %dma_start3A_232 = tpu.memref_slice %arg4[%add3A_225, %dma_start3A_231] : memref<106496x128xf32, #tpu.memory_space<hbm>> -> memref<128x128xf32, #tpu.memory_space<hbm>>
    %dma_start3A_233 = arith.constant 128 : i32
    %dma_start3A_234 = arith.constant 0 : i32
    %dma_start3A_235 = tpu.memref_slice %arg7[%dma_start3A_233, %dma_start3A_234] : memref<256x128xf32, #tpu.memory_space<vmem>> -> memref<128x128xf32, #tpu.memory_space<vmem>>
    tpu.enqueue_dma source(%dma_start3A_235 : memref<128x128xf32, #tpu.memory_space<vmem>>) target(%dma_start3A_232 : memref<128x128xf32, #tpu.memory_space<hbm>>) target_semaphore(%arg13 : memref<!tpu.dma_semaphore, #tpu.memory_space<semaphore_mem>>)
    %dma_wait3A_236 = arith.constant 0 : i32
    %dma_wait3A_237 = arith.constant 0 : i32
    %dma_wait3A_238 = tpu.memref_slice %arg6[%dma_wait3A_236, %dma_wait3A_237] : memref<256x128xf32, #tpu.memory_space<vmem>> -> memref<128x128xf32, #tpu.memory_space<vmem>>
    %dma_wait3A_239 = arith.constant 0 : i32
    %dma_wait3A_240 = tpu.memref_slice %arg4[%mul3A_2, %dma_wait3A_239] : memref<106496x128xf32, #tpu.memory_space<hbm>> -> memref<128x128xf32, #tpu.memory_space<hbm>>
    %dma_wait3A_241 = arith.constant 0 : i32
    %dma_wait3A_242 = tpu.memref_slice %arg4[%mul3A_2, %dma_wait3A_241] : memref<106496x128xf32, #tpu.memory_space<hbm>> -> memref<128x128xf32, #tpu.memory_space<hbm>>
    %dma_wait3A_243 = arith.constant 0 : i32
    %dma_wait3A_244 = arith.constant 0 : i32
    %dma_wait3A_245 = tpu.memref_slice %arg6[%dma_wait3A_243, %dma_wait3A_244] : memref<256x128xf32, #tpu.memory_space<vmem>> -> memref<128x128xf32, #tpu.memory_space<vmem>>
    tpu.wait_dma2 semaphore(%arg12 : memref<!tpu.dma_semaphore, #tpu.memory_space<semaphore_mem>>) src(%dma_wait3A_245 : memref<128x128xf32, #tpu.memory_space<vmem>>) dst(%dma_wait3A_242 : memref<128x128xf32, #tpu.memory_space<hbm>>)
    %dma_wait3A_246 = arith.constant 0 : i32
    %dma_wait3A_247 = arith.constant 0 : i32
    %dma_wait3A_248 = tpu.memref_slice %arg6[%dma_wait3A_246, %dma_wait3A_247] : memref<256x128xf32, #tpu.memory_space<vmem>> -> memref<128x128xf32, #tpu.memory_space<vmem>>
    %dma_wait3A_249 = arith.constant 0 : i32
    %dma_wait3A_250 = tpu.memref_slice %arg4[%mul3A_2, %dma_wait3A_249] : memref<106496x128xf32, #tpu.memory_space<hbm>> -> memref<128x128xf32, #tpu.memory_space<hbm>>
    %dma_wait3A_251 = arith.constant 0 : i32
    %dma_wait3A_252 = tpu.memref_slice %arg4[%mul3A_2, %dma_wait3A_251] : memref<106496x128xf32, #tpu.memory_space<hbm>> -> memref<128x128xf32, #tpu.memory_space<hbm>>
    %dma_wait3A_253 = arith.constant 0 : i32
    %dma_wait3A_254 = arith.constant 0 : i32
    %dma_wait3A_255 = tpu.memref_slice %arg6[%dma_wait3A_253, %dma_wait3A_254] : memref<256x128xf32, #tpu.memory_space<vmem>> -> memref<128x128xf32, #tpu.memory_space<vmem>>
    tpu.wait_dma2 semaphore(%arg12 : memref<!tpu.dma_semaphore, #tpu.memory_space<semaphore_mem>>) src(%dma_wait3A_255 : memref<128x128xf32, #tpu.memory_space<vmem>>) dst(%dma_wait3A_252 : memref<128x128xf32, #tpu.memory_space<hbm>>)
    %dma_start3A_256 = arith.constant 1536 : i32
    %dma_start3A_257 = tpu.memref_slice %arg5[%dma_start3A_256] : memref<3328xi32, #tpu.memory_space<vmem>> -> memref<256xi32, #tpu.memory_space<vmem>>
    %dma_start3A_258 = arith.constant 0 : i32
    %dma_start3A_259 = arith.constant 0 : i32
    %dma_start3A_260 = tpu.memref_slice %arg3[%dma_start3A_258, %dma_start3A_259] : memref<100000x128xf32, #tpu.memory_space<hbm>> -> memref<100000x128xf32, #tpu.memory_space<hbm>>
    tpu.enqueue_indirect_dma source(%dma_start3A_260 : memref<100000x128xf32, #tpu.memory_space<hbm>>) target(%arg6 : memref<256x128xf32, #tpu.memory_space<vmem>>) offsets(%dma_start3A_257 : memref<256xi32, #tpu.memory_space<vmem>>) semaphore(%arg9 : memref<!tpu.dma_semaphore, #tpu.memory_space<semaphore_mem>>)
    %dma_wait3A_261 = arith.constant 0 : i32
    %dma_wait3A_262 = tpu.memref_slice %arg5[%dma_wait3A_261] : memref<3328xi32, #tpu.memory_space<vmem>> -> memref<256xi32, #tpu.memory_space<vmem>>
    %dma_wait3A_263 = arith.constant 0 : i32
    %dma_wait3A_264 = arith.constant 0 : i32
    %dma_wait3A_265 = tpu.memref_slice %arg3[%dma_wait3A_263, %dma_wait3A_264] : memref<100000x128xf32, #tpu.memory_space<hbm>> -> memref<100000x128xf32, #tpu.memory_space<hbm>>
    tpu.wait_indirect_dma semaphore(%arg11 : memref<!tpu.dma_semaphore, #tpu.memory_space<semaphore_mem>>) src(%dma_wait3A_265 : memref<100000x128xf32, #tpu.memory_space<hbm>>) dst(%arg8 : memref<256x128xf32, #tpu.memory_space<vmem>>)
    %add3A_266 = arith.constant 40960 : i32
    %add3A_267 = arith.addi %add3A_266, %mul3A_2 : i32
    %dma_start3A_268 = arith.constant 0 : i32
    %dma_start3A_269 = arith.constant 0 : i32
    %dma_start3A_270 = tpu.memref_slice %arg8[%dma_start3A_268, %dma_start3A_269] : memref<256x128xf32, #tpu.memory_space<vmem>> -> memref<128x128xf32, #tpu.memory_space<vmem>>
    %dma_start3A_271 = arith.constant 0 : i32
    %dma_start3A_272 = tpu.memref_slice %arg4[%add3A_267, %dma_start3A_271] : memref<106496x128xf32, #tpu.memory_space<hbm>> -> memref<128x128xf32, #tpu.memory_space<hbm>>
    %dma_start3A_273 = arith.constant 0 : i32
    %dma_start3A_274 = tpu.memref_slice %arg4[%add3A_267, %dma_start3A_273] : memref<106496x128xf32, #tpu.memory_space<hbm>> -> memref<128x128xf32, #tpu.memory_space<hbm>>
    %dma_start3A_275 = arith.constant 0 : i32
    %dma_start3A_276 = arith.constant 0 : i32
    %dma_start3A_277 = tpu.memref_slice %arg8[%dma_start3A_275, %dma_start3A_276] : memref<256x128xf32, #tpu.memory_space<vmem>> -> memref<128x128xf32, #tpu.memory_space<vmem>>
    tpu.enqueue_dma source(%dma_start3A_277 : memref<128x128xf32, #tpu.memory_space<vmem>>) target(%dma_start3A_274 : memref<128x128xf32, #tpu.memory_space<hbm>>) target_semaphore(%arg14 : memref<!tpu.dma_semaphore, #tpu.memory_space<semaphore_mem>>)
    %add3A_278 = arith.constant 45056 : i32
    %add3A_279 = arith.addi %add3A_278, %mul3A_2 : i32
    %dma_start3A_280 = arith.constant 128 : i32
    %dma_start3A_281 = arith.constant 0 : i32
    %dma_start3A_282 = tpu.memref_slice %arg8[%dma_start3A_280, %dma_start3A_281] : memref<256x128xf32, #tpu.memory_space<vmem>> -> memref<128x128xf32, #tpu.memory_space<vmem>>
    %dma_start3A_283 = arith.constant 0 : i32
    %dma_start3A_284 = tpu.memref_slice %arg4[%add3A_279, %dma_start3A_283] : memref<106496x128xf32, #tpu.memory_space<hbm>> -> memref<128x128xf32, #tpu.memory_space<hbm>>
    %dma_start3A_285 = arith.constant 0 : i32
    %dma_start3A_286 = tpu.memref_slice %arg4[%add3A_279, %dma_start3A_285] : memref<106496x128xf32, #tpu.memory_space<hbm>> -> memref<128x128xf32, #tpu.memory_space<hbm>>
    %dma_start3A_287 = arith.constant 128 : i32
    %dma_start3A_288 = arith.constant 0 : i32
    %dma_start3A_289 = tpu.memref_slice %arg8[%dma_start3A_287, %dma_start3A_288] : memref<256x128xf32, #tpu.memory_space<vmem>> -> memref<128x128xf32, #tpu.memory_space<vmem>>
    tpu.enqueue_dma source(%dma_start3A_289 : memref<128x128xf32, #tpu.memory_space<vmem>>) target(%dma_start3A_286 : memref<128x128xf32, #tpu.memory_space<hbm>>) target_semaphore(%arg14 : memref<!tpu.dma_semaphore, #tpu.memory_space<semaphore_mem>>)
    %dma_wait3A_290 = arith.constant 0 : i32
    %dma_wait3A_291 = arith.constant 0 : i32
    %dma_wait3A_292 = tpu.memref_slice %arg7[%dma_wait3A_290, %dma_wait3A_291] : memref<256x128xf32, #tpu.memory_space<vmem>> -> memref<128x128xf32, #tpu.memory_space<vmem>>
    %dma_wait3A_293 = arith.constant 0 : i32
    %dma_wait3A_294 = tpu.memref_slice %arg4[%mul3A_2, %dma_wait3A_293] : memref<106496x128xf32, #tpu.memory_space<hbm>> -> memref<128x128xf32, #tpu.memory_space<hbm>>
    %dma_wait3A_295 = arith.constant 0 : i32
    %dma_wait3A_296 = tpu.memref_slice %arg4[%mul3A_2, %dma_wait3A_295] : memref<106496x128xf32, #tpu.memory_space<hbm>> -> memref<128x128xf32, #tpu.memory_space<hbm>>
    %dma_wait3A_297 = arith.constant 0 : i32
    %dma_wait3A_298 = arith.constant 0 : i32
    %dma_wait3A_299 = tpu.memref_slice %arg7[%dma_wait3A_297, %dma_wait3A_298] : memref<256x128xf32, #tpu.memory_space<vmem>> -> memref<128x128xf32, #tpu.memory_space<vmem>>
    tpu.wait_dma2 semaphore(%arg13 : memref<!tpu.dma_semaphore, #tpu.memory_space<semaphore_mem>>) src(%dma_wait3A_299 : memref<128x128xf32, #tpu.memory_space<vmem>>) dst(%dma_wait3A_296 : memref<128x128xf32, #tpu.memory_space<hbm>>)
    %dma_wait3A_300 = arith.constant 0 : i32
    %dma_wait3A_301 = arith.constant 0 : i32
    %dma_wait3A_302 = tpu.memref_slice %arg7[%dma_wait3A_300, %dma_wait3A_301] : memref<256x128xf32, #tpu.memory_space<vmem>> -> memref<128x128xf32, #tpu.memory_space<vmem>>
    %dma_wait3A_303 = arith.constant 0 : i32
    %dma_wait3A_304 = tpu.memref_slice %arg4[%mul3A_2, %dma_wait3A_303] : memref<106496x128xf32, #tpu.memory_space<hbm>> -> memref<128x128xf32, #tpu.memory_space<hbm>>
    %dma_wait3A_305 = arith.constant 0 : i32
    %dma_wait3A_306 = tpu.memref_slice %arg4[%mul3A_2, %dma_wait3A_305] : memref<106496x128xf32, #tpu.memory_space<hbm>> -> memref<128x128xf32, #tpu.memory_space<hbm>>
    %dma_wait3A_307 = arith.constant 0 : i32
    %dma_wait3A_308 = arith.constant 0 : i32
    %dma_wait3A_309 = tpu.memref_slice %arg7[%dma_wait3A_307, %dma_wait3A_308] : memref<256x128xf32, #tpu.memory_space<vmem>> -> memref<128x128xf32, #tpu.memory_space<vmem>>
    tpu.wait_dma2 semaphore(%arg13 : memref<!tpu.dma_semaphore, #tpu.memory_space<semaphore_mem>>) src(%dma_wait3A_309 : memref<128x128xf32, #tpu.memory_space<vmem>>) dst(%dma_wait3A_306 : memref<128x128xf32, #tpu.memory_space<hbm>>)
    %dma_start3A_310 = arith.constant 1792 : i32
    %dma_start3A_311 = tpu.memref_slice %arg5[%dma_start3A_310] : memref<3328xi32, #tpu.memory_space<vmem>> -> memref<256xi32, #tpu.memory_space<vmem>>
    %dma_start3A_312 = arith.constant 0 : i32
    %dma_start3A_313 = arith.constant 0 : i32
    %dma_start3A_314 = tpu.memref_slice %arg3[%dma_start3A_312, %dma_start3A_313] : memref<100000x128xf32, #tpu.memory_space<hbm>> -> memref<100000x128xf32, #tpu.memory_space<hbm>>
    tpu.enqueue_indirect_dma source(%dma_start3A_314 : memref<100000x128xf32, #tpu.memory_space<hbm>>) target(%arg7 : memref<256x128xf32, #tpu.memory_space<vmem>>) offsets(%dma_start3A_311 : memref<256xi32, #tpu.memory_space<vmem>>) semaphore(%arg10 : memref<!tpu.dma_semaphore, #tpu.memory_space<semaphore_mem>>)
    %dma_wait3A_315 = arith.constant 0 : i32
    %dma_wait3A_316 = tpu.memref_slice %arg5[%dma_wait3A_315] : memref<3328xi32, #tpu.memory_space<vmem>> -> memref<256xi32, #tpu.memory_space<vmem>>
    %dma_wait3A_317 = arith.constant 0 : i32
    %dma_wait3A_318 = arith.constant 0 : i32
    %dma_wait3A_319 = tpu.memref_slice %arg3[%dma_wait3A_317, %dma_wait3A_318] : memref<100000x128xf32, #tpu.memory_space<hbm>> -> memref<100000x128xf32, #tpu.memory_space<hbm>>
    tpu.wait_indirect_dma semaphore(%arg9 : memref<!tpu.dma_semaphore, #tpu.memory_space<semaphore_mem>>) src(%dma_wait3A_319 : memref<100000x128xf32, #tpu.memory_space<hbm>>) dst(%arg6 : memref<256x128xf32, #tpu.memory_space<vmem>>)
    %add3A_320 = arith.constant 49152 : i32
    %add3A_321 = arith.addi %add3A_320, %mul3A_2 : i32
    %dma_start3A_322 = arith.constant 0 : i32
    %dma_start3A_323 = arith.constant 0 : i32
    %dma_start3A_324 = tpu.memref_slice %arg6[%dma_start3A_322, %dma_start3A_323] : memref<256x128xf32, #tpu.memory_space<vmem>> -> memref<128x128xf32, #tpu.memory_space<vmem>>
    %dma_start3A_325 = arith.constant 0 : i32
    %dma_start3A_326 = tpu.memref_slice %arg4[%add3A_321, %dma_start3A_325] : memref<106496x128xf32, #tpu.memory_space<hbm>> -> memref<128x128xf32, #tpu.memory_space<hbm>>
    %dma_start3A_327 = arith.constant 0 : i32
    %dma_start3A_328 = tpu.memref_slice %arg4[%add3A_321, %dma_start3A_327] : memref<106496x128xf32, #tpu.memory_space<hbm>> -> memref<128x128xf32, #tpu.memory_space<hbm>>
    %dma_start3A_329 = arith.constant 0 : i32
    %dma_start3A_330 = arith.constant 0 : i32
    %dma_start3A_331 = tpu.memref_slice %arg6[%dma_start3A_329, %dma_start3A_330] : memref<256x128xf32, #tpu.memory_space<vmem>> -> memref<128x128xf32, #tpu.memory_space<vmem>>
    tpu.enqueue_dma source(%dma_start3A_331 : memref<128x128xf32, #tpu.memory_space<vmem>>) target(%dma_start3A_328 : memref<128x128xf32, #tpu.memory_space<hbm>>) target_semaphore(%arg12 : memref<!tpu.dma_semaphore, #tpu.memory_space<semaphore_mem>>)
    %add3A_332 = arith.constant 53248 : i32
    %add3A_333 = arith.addi %add3A_332, %mul3A_2 : i32
    %dma_start3A_334 = arith.constant 128 : i32
    %dma_start3A_335 = arith.constant 0 : i32
    %dma_start3A_336 = tpu.memref_slice %arg6[%dma_start3A_334, %dma_start3A_335] : memref<256x128xf32, #tpu.memory_space<vmem>> -> memref<128x128xf32, #tpu.memory_space<vmem>>
    %dma_start3A_337 = arith.constant 0 : i32
    %dma_start3A_338 = tpu.memref_slice %arg4[%add3A_333, %dma_start3A_337] : memref<106496x128xf32, #tpu.memory_space<hbm>> -> memref<128x128xf32, #tpu.memory_space<hbm>>
    %dma_start3A_339 = arith.constant 0 : i32
    %dma_start3A_340 = tpu.memref_slice %arg4[%add3A_333, %dma_start3A_339] : memref<106496x128xf32, #tpu.memory_space<hbm>> -> memref<128x128xf32, #tpu.memory_space<hbm>>
    %dma_start3A_341 = arith.constant 128 : i32
    %dma_start3A_342 = arith.constant 0 : i32
    %dma_start3A_343 = tpu.memref_slice %arg6[%dma_start3A_341, %dma_start3A_342] : memref<256x128xf32, #tpu.memory_space<vmem>> -> memref<128x128xf32, #tpu.memory_space<vmem>>
    tpu.enqueue_dma source(%dma_start3A_343 : memref<128x128xf32, #tpu.memory_space<vmem>>) target(%dma_start3A_340 : memref<128x128xf32, #tpu.memory_space<hbm>>) target_semaphore(%arg12 : memref<!tpu.dma_semaphore, #tpu.memory_space<semaphore_mem>>)
    %dma_wait3A_344 = arith.constant 0 : i32
    %dma_wait3A_345 = arith.constant 0 : i32
    %dma_wait3A_346 = tpu.memref_slice %arg8[%dma_wait3A_344, %dma_wait3A_345] : memref<256x128xf32, #tpu.memory_space<vmem>> -> memref<128x128xf32, #tpu.memory_space<vmem>>
    %dma_wait3A_347 = arith.constant 0 : i32
    %dma_wait3A_348 = tpu.memref_slice %arg4[%mul3A_2, %dma_wait3A_347] : memref<106496x128xf32, #tpu.memory_space<hbm>> -> memref<128x128xf32, #tpu.memory_space<hbm>>
    %dma_wait3A_349 = arith.constant 0 : i32
    %dma_wait3A_350 = tpu.memref_slice %arg4[%mul3A_2, %dma_wait3A_349] : memref<106496x128xf32, #tpu.memory_space<hbm>> -> memref<128x128xf32, #tpu.memory_space<hbm>>
    %dma_wait3A_351 = arith.constant 0 : i32
    %dma_wait3A_352 = arith.constant 0 : i32
    %dma_wait3A_353 = tpu.memref_slice %arg8[%dma_wait3A_351, %dma_wait3A_352] : memref<256x128xf32, #tpu.memory_space<vmem>> -> memref<128x128xf32, #tpu.memory_space<vmem>>
    tpu.wait_dma2 semaphore(%arg14 : memref<!tpu.dma_semaphore, #tpu.memory_space<semaphore_mem>>) src(%dma_wait3A_353 : memref<128x128xf32, #tpu.memory_space<vmem>>) dst(%dma_wait3A_350 : memref<128x128xf32, #tpu.memory_space<hbm>>)
    %dma_wait3A_354 = arith.constant 0 : i32
    %dma_wait3A_355 = arith.constant 0 : i32
    %dma_wait3A_356 = tpu.memref_slice %arg8[%dma_wait3A_354, %dma_wait3A_355] : memref<256x128xf32, #tpu.memory_space<vmem>> -> memref<128x128xf32, #tpu.memory_space<vmem>>
    %dma_wait3A_357 = arith.constant 0 : i32
    %dma_wait3A_358 = tpu.memref_slice %arg4[%mul3A_2, %dma_wait3A_357] : memref<106496x128xf32, #tpu.memory_space<hbm>> -> memref<128x128xf32, #tpu.memory_space<hbm>>
    %dma_wait3A_359 = arith.constant 0 : i32
    %dma_wait3A_360 = tpu.memref_slice %arg4[%mul3A_2, %dma_wait3A_359] : memref<106496x128xf32, #tpu.memory_space<hbm>> -> memref<128x128xf32, #tpu.memory_space<hbm>>
    %dma_wait3A_361 = arith.constant 0 : i32
    %dma_wait3A_362 = arith.constant 0 : i32
    %dma_wait3A_363 = tpu.memref_slice %arg8[%dma_wait3A_361, %dma_wait3A_362] : memref<256x128xf32, #tpu.memory_space<vmem>> -> memref<128x128xf32, #tpu.memory_space<vmem>>
    tpu.wait_dma2 semaphore(%arg14 : memref<!tpu.dma_semaphore, #tpu.memory_space<semaphore_mem>>) src(%dma_wait3A_363 : memref<128x128xf32, #tpu.memory_space<vmem>>) dst(%dma_wait3A_360 : memref<128x128xf32, #tpu.memory_space<hbm>>)
    %dma_start3A_364 = arith.constant 2048 : i32
    %dma_start3A_365 = tpu.memref_slice %arg5[%dma_start3A_364] : memref<3328xi32, #tpu.memory_space<vmem>> -> memref<256xi32, #tpu.memory_space<vmem>>
    %dma_start3A_366 = arith.constant 0 : i32
    %dma_start3A_367 = arith.constant 0 : i32
    %dma_start3A_368 = tpu.memref_slice %arg3[%dma_start3A_366, %dma_start3A_367] : memref<100000x128xf32, #tpu.memory_space<hbm>> -> memref<100000x128xf32, #tpu.memory_space<hbm>>
    tpu.enqueue_indirect_dma source(%dma_start3A_368 : memref<100000x128xf32, #tpu.memory_space<hbm>>) target(%arg8 : memref<256x128xf32, #tpu.memory_space<vmem>>) offsets(%dma_start3A_365 : memref<256xi32, #tpu.memory_space<vmem>>) semaphore(%arg11 : memref<!tpu.dma_semaphore, #tpu.memory_space<semaphore_mem>>)
    %dma_wait3A_369 = arith.constant 0 : i32
    %dma_wait3A_370 = tpu.memref_slice %arg5[%dma_wait3A_369] : memref<3328xi32, #tpu.memory_space<vmem>> -> memref<256xi32, #tpu.memory_space<vmem>>
    %dma_wait3A_371 = arith.constant 0 : i32
    %dma_wait3A_372 = arith.constant 0 : i32
    %dma_wait3A_373 = tpu.memref_slice %arg3[%dma_wait3A_371, %dma_wait3A_372] : memref<100000x128xf32, #tpu.memory_space<hbm>> -> memref<100000x128xf32, #tpu.memory_space<hbm>>
    tpu.wait_indirect_dma semaphore(%arg10 : memref<!tpu.dma_semaphore, #tpu.memory_space<semaphore_mem>>) src(%dma_wait3A_373 : memref<100000x128xf32, #tpu.memory_space<hbm>>) dst(%arg7 : memref<256x128xf32, #tpu.memory_space<vmem>>)
    %add3A_374 = arith.constant 57344 : i32
    %add3A_375 = arith.addi %add3A_374, %mul3A_2 : i32
    %dma_start3A_376 = arith.constant 0 : i32
    %dma_start3A_377 = arith.constant 0 : i32
    %dma_start3A_378 = tpu.memref_slice %arg7[%dma_start3A_376, %dma_start3A_377] : memref<256x128xf32, #tpu.memory_space<vmem>> -> memref<128x128xf32, #tpu.memory_space<vmem>>
    %dma_start3A_379 = arith.constant 0 : i32
    %dma_start3A_380 = tpu.memref_slice %arg4[%add3A_375, %dma_start3A_379] : memref<106496x128xf32, #tpu.memory_space<hbm>> -> memref<128x128xf32, #tpu.memory_space<hbm>>
    %dma_start3A_381 = arith.constant 0 : i32
    %dma_start3A_382 = tpu.memref_slice %arg4[%add3A_375, %dma_start3A_381] : memref<106496x128xf32, #tpu.memory_space<hbm>> -> memref<128x128xf32, #tpu.memory_space<hbm>>
    %dma_start3A_383 = arith.constant 0 : i32
    %dma_start3A_384 = arith.constant 0 : i32
    %dma_start3A_385 = tpu.memref_slice %arg7[%dma_start3A_383, %dma_start3A_384] : memref<256x128xf32, #tpu.memory_space<vmem>> -> memref<128x128xf32, #tpu.memory_space<vmem>>
    tpu.enqueue_dma source(%dma_start3A_385 : memref<128x128xf32, #tpu.memory_space<vmem>>) target(%dma_start3A_382 : memref<128x128xf32, #tpu.memory_space<hbm>>) target_semaphore(%arg13 : memref<!tpu.dma_semaphore, #tpu.memory_space<semaphore_mem>>)
    %add3A_386 = arith.constant 61440 : i32
    %add3A_387 = arith.addi %add3A_386, %mul3A_2 : i32
    %dma_start3A_388 = arith.constant 128 : i32
    %dma_start3A_389 = arith.constant 0 : i32
    %dma_start3A_390 = tpu.memref_slice %arg7[%dma_start3A_388, %dma_start3A_389] : memref<256x128xf32, #tpu.memory_space<vmem>> -> memref<128x128xf32, #tpu.memory_space<vmem>>
    %dma_start3A_391 = arith.constant 0 : i32
    %dma_start3A_392 = tpu.memref_slice %arg4[%add3A_387, %dma_start3A_391] : memref<106496x128xf32, #tpu.memory_space<hbm>> -> memref<128x128xf32, #tpu.memory_space<hbm>>
    %dma_start3A_393 = arith.constant 0 : i32
    %dma_start3A_394 = tpu.memref_slice %arg4[%add3A_387, %dma_start3A_393] : memref<106496x128xf32, #tpu.memory_space<hbm>> -> memref<128x128xf32, #tpu.memory_space<hbm>>
    %dma_start3A_395 = arith.constant 128 : i32
    %dma_start3A_396 = arith.constant 0 : i32
    %dma_start3A_397 = tpu.memref_slice %arg7[%dma_start3A_395, %dma_start3A_396] : memref<256x128xf32, #tpu.memory_space<vmem>> -> memref<128x128xf32, #tpu.memory_space<vmem>>
    tpu.enqueue_dma source(%dma_start3A_397 : memref<128x128xf32, #tpu.memory_space<vmem>>) target(%dma_start3A_394 : memref<128x128xf32, #tpu.memory_space<hbm>>) target_semaphore(%arg13 : memref<!tpu.dma_semaphore, #tpu.memory_space<semaphore_mem>>)
    %dma_wait3A_398 = arith.constant 0 : i32
    %dma_wait3A_399 = arith.constant 0 : i32
    %dma_wait3A_400 = tpu.memref_slice %arg6[%dma_wait3A_398, %dma_wait3A_399] : memref<256x128xf32, #tpu.memory_space<vmem>> -> memref<128x128xf32, #tpu.memory_space<vmem>>
    %dma_wait3A_401 = arith.constant 0 : i32
    %dma_wait3A_402 = tpu.memref_slice %arg4[%mul3A_2, %dma_wait3A_401] : memref<106496x128xf32, #tpu.memory_space<hbm>> -> memref<128x128xf32, #tpu.memory_space<hbm>>
    %dma_wait3A_403 = arith.constant 0 : i32
    %dma_wait3A_404 = tpu.memref_slice %arg4[%mul3A_2, %dma_wait3A_403] : memref<106496x128xf32, #tpu.memory_space<hbm>> -> memref<128x128xf32, #tpu.memory_space<hbm>>
    %dma_wait3A_405 = arith.constant 0 : i32
    %dma_wait3A_406 = arith.constant 0 : i32
    %dma_wait3A_407 = tpu.memref_slice %arg6[%dma_wait3A_405, %dma_wait3A_406] : memref<256x128xf32, #tpu.memory_space<vmem>> -> memref<128x128xf32, #tpu.memory_space<vmem>>
    tpu.wait_dma2 semaphore(%arg12 : memref<!tpu.dma_semaphore, #tpu.memory_space<semaphore_mem>>) src(%dma_wait3A_407 : memref<128x128xf32, #tpu.memory_space<vmem>>) dst(%dma_wait3A_404 : memref<128x128xf32, #tpu.memory_space<hbm>>)
    %dma_wait3A_408 = arith.constant 0 : i32
    %dma_wait3A_409 = arith.constant 0 : i32
    %dma_wait3A_410 = tpu.memref_slice %arg6[%dma_wait3A_408, %dma_wait3A_409] : memref<256x128xf32, #tpu.memory_space<vmem>> -> memref<128x128xf32, #tpu.memory_space<vmem>>
    %dma_wait3A_411 = arith.constant 0 : i32
    %dma_wait3A_412 = tpu.memref_slice %arg4[%mul3A_2, %dma_wait3A_411] : memref<106496x128xf32, #tpu.memory_space<hbm>> -> memref<128x128xf32, #tpu.memory_space<hbm>>
    %dma_wait3A_413 = arith.constant 0 : i32
    %dma_wait3A_414 = tpu.memref_slice %arg4[%mul3A_2, %dma_wait3A_413] : memref<106496x128xf32, #tpu.memory_space<hbm>> -> memref<128x128xf32, #tpu.memory_space<hbm>>
    %dma_wait3A_415 = arith.constant 0 : i32
    %dma_wait3A_416 = arith.constant 0 : i32
    %dma_wait3A_417 = tpu.memref_slice %arg6[%dma_wait3A_415, %dma_wait3A_416] : memref<256x128xf32, #tpu.memory_space<vmem>> -> memref<128x128xf32, #tpu.memory_space<vmem>>
    tpu.wait_dma2 semaphore(%arg12 : memref<!tpu.dma_semaphore, #tpu.memory_space<semaphore_mem>>) src(%dma_wait3A_417 : memref<128x128xf32, #tpu.memory_space<vmem>>) dst(%dma_wait3A_414 : memref<128x128xf32, #tpu.memory_space<hbm>>)
    %dma_start3A_418 = arith.constant 2304 : i32
    %dma_start3A_419 = tpu.memref_slice %arg5[%dma_start3A_418] : memref<3328xi32, #tpu.memory_space<vmem>> -> memref<256xi32, #tpu.memory_space<vmem>>
    %dma_start3A_420 = arith.constant 0 : i32
    %dma_start3A_421 = arith.constant 0 : i32
    %dma_start3A_422 = tpu.memref_slice %arg3[%dma_start3A_420, %dma_start3A_421] : memref<100000x128xf32, #tpu.memory_space<hbm>> -> memref<100000x128xf32, #tpu.memory_space<hbm>>
    tpu.enqueue_indirect_dma source(%dma_start3A_422 : memref<100000x128xf32, #tpu.memory_space<hbm>>) target(%arg6 : memref<256x128xf32, #tpu.memory_space<vmem>>) offsets(%dma_start3A_419 : memref<256xi32, #tpu.memory_space<vmem>>) semaphore(%arg9 : memref<!tpu.dma_semaphore, #tpu.memory_space<semaphore_mem>>)
    %dma_wait3A_423 = arith.constant 0 : i32
    %dma_wait3A_424 = tpu.memref_slice %arg5[%dma_wait3A_423] : memref<3328xi32, #tpu.memory_space<vmem>> -> memref<256xi32, #tpu.memory_space<vmem>>
    %dma_wait3A_425 = arith.constant 0 : i32
    %dma_wait3A_426 = arith.constant 0 : i32
    %dma_wait3A_427 = tpu.memref_slice %arg3[%dma_wait3A_425, %dma_wait3A_426] : memref<100000x128xf32, #tpu.memory_space<hbm>> -> memref<100000x128xf32, #tpu.memory_space<hbm>>
    tpu.wait_indirect_dma semaphore(%arg11 : memref<!tpu.dma_semaphore, #tpu.memory_space<semaphore_mem>>) src(%dma_wait3A_427 : memref<100000x128xf32, #tpu.memory_space<hbm>>) dst(%arg8 : memref<256x128xf32, #tpu.memory_space<vmem>>)
    %add3A_428 = arith.constant 65536 : i32
    %add3A_429 = arith.addi %add3A_428, %mul3A_2 : i32
    %dma_start3A_430 = arith.constant 0 : i32
    %dma_start3A_431 = arith.constant 0 : i32
    %dma_start3A_432 = tpu.memref_slice %arg8[%dma_start3A_430, %dma_start3A_431] : memref<256x128xf32, #tpu.memory_space<vmem>> -> memref<128x128xf32, #tpu.memory_space<vmem>>
    %dma_start3A_433 = arith.constant 0 : i32
    %dma_start3A_434 = tpu.memref_slice %arg4[%add3A_429, %dma_start3A_433] : memref<106496x128xf32, #tpu.memory_space<hbm>> -> memref<128x128xf32, #tpu.memory_space<hbm>>
    %dma_start3A_435 = arith.constant 0 : i32
    %dma_start3A_436 = tpu.memref_slice %arg4[%add3A_429, %dma_start3A_435] : memref<106496x128xf32, #tpu.memory_space<hbm>> -> memref<128x128xf32, #tpu.memory_space<hbm>>
    %dma_start3A_437 = arith.constant 0 : i32
    %dma_start3A_438 = arith.constant 0 : i32
    %dma_start3A_439 = tpu.memref_slice %arg8[%dma_start3A_437, %dma_start3A_438] : memref<256x128xf32, #tpu.memory_space<vmem>> -> memref<128x128xf32, #tpu.memory_space<vmem>>
    tpu.enqueue_dma source(%dma_start3A_439 : memref<128x128xf32, #tpu.memory_space<vmem>>) target(%dma_start3A_436 : memref<128x128xf32, #tpu.memory_space<hbm>>) target_semaphore(%arg14 : memref<!tpu.dma_semaphore, #tpu.memory_space<semaphore_mem>>)
    %add3A_440 = arith.constant 69632 : i32
    %add3A_441 = arith.addi %add3A_440, %mul3A_2 : i32
    %dma_start3A_442 = arith.constant 128 : i32
    %dma_start3A_443 = arith.constant 0 : i32
    %dma_start3A_444 = tpu.memref_slice %arg8[%dma_start3A_442, %dma_start3A_443] : memref<256x128xf32, #tpu.memory_space<vmem>> -> memref<128x128xf32, #tpu.memory_space<vmem>>
    %dma_start3A_445 = arith.constant 0 : i32
    %dma_start3A_446 = tpu.memref_slice %arg4[%add3A_441, %dma_start3A_445] : memref<106496x128xf32, #tpu.memory_space<hbm>> -> memref<128x128xf32, #tpu.memory_space<hbm>>
    %dma_start3A_447 = arith.constant 0 : i32
    %dma_start3A_448 = tpu.memref_slice %arg4[%add3A_441, %dma_start3A_447] : memref<106496x128xf32, #tpu.memory_space<hbm>> -> memref<128x128xf32, #tpu.memory_space<hbm>>
    %dma_start3A_449 = arith.constant 128 : i32
    %dma_start3A_450 = arith.constant 0 : i32
    %dma_start3A_451 = tpu.memref_slice %arg8[%dma_start3A_449, %dma_start3A_450] : memref<256x128xf32, #tpu.memory_space<vmem>> -> memref<128x128xf32, #tpu.memory_space<vmem>>
    tpu.enqueue_dma source(%dma_start3A_451 : memref<128x128xf32, #tpu.memory_space<vmem>>) target(%dma_start3A_448 : memref<128x128xf32, #tpu.memory_space<hbm>>) target_semaphore(%arg14 : memref<!tpu.dma_semaphore, #tpu.memory_space<semaphore_mem>>)
    %dma_wait3A_452 = arith.constant 0 : i32
    %dma_wait3A_453 = arith.constant 0 : i32
    %dma_wait3A_454 = tpu.memref_slice %arg7[%dma_wait3A_452, %dma_wait3A_453] : memref<256x128xf32, #tpu.memory_space<vmem>> -> memref<128x128xf32, #tpu.memory_space<vmem>>
    %dma_wait3A_455 = arith.constant 0 : i32
    %dma_wait3A_456 = tpu.memref_slice %arg4[%mul3A_2, %dma_wait3A_455] : memref<106496x128xf32, #tpu.memory_space<hbm>> -> memref<128x128xf32, #tpu.memory_space<hbm>>
    %dma_wait3A_457 = arith.constant 0 : i32
    %dma_wait3A_458 = tpu.memref_slice %arg4[%mul3A_2, %dma_wait3A_457] : memref<106496x128xf32, #tpu.memory_space<hbm>> -> memref<128x128xf32, #tpu.memory_space<hbm>>
    %dma_wait3A_459 = arith.constant 0 : i32
    %dma_wait3A_460 = arith.constant 0 : i32
    %dma_wait3A_461 = tpu.memref_slice %arg7[%dma_wait3A_459, %dma_wait3A_460] : memref<256x128xf32, #tpu.memory_space<vmem>> -> memref<128x128xf32, #tpu.memory_space<vmem>>
    tpu.wait_dma2 semaphore(%arg13 : memref<!tpu.dma_semaphore, #tpu.memory_space<semaphore_mem>>) src(%dma_wait3A_461 : memref<128x128xf32, #tpu.memory_space<vmem>>) dst(%dma_wait3A_458 : memref<128x128xf32, #tpu.memory_space<hbm>>)
    %dma_wait3A_462 = arith.constant 0 : i32
    %dma_wait3A_463 = arith.constant 0 : i32
    %dma_wait3A_464 = tpu.memref_slice %arg7[%dma_wait3A_462, %dma_wait3A_463] : memref<256x128xf32, #tpu.memory_space<vmem>> -> memref<128x128xf32, #tpu.memory_space<vmem>>
    %dma_wait3A_465 = arith.constant 0 : i32
    %dma_wait3A_466 = tpu.memref_slice %arg4[%mul3A_2, %dma_wait3A_465] : memref<106496x128xf32, #tpu.memory_space<hbm>> -> memref<128x128xf32, #tpu.memory_space<hbm>>
    %dma_wait3A_467 = arith.constant 0 : i32
    %dma_wait3A_468 = tpu.memref_slice %arg4[%mul3A_2, %dma_wait3A_467] : memref<106496x128xf32, #tpu.memory_space<hbm>> -> memref<128x128xf32, #tpu.memory_space<hbm>>
    %dma_wait3A_469 = arith.constant 0 : i32
    %dma_wait3A_470 = arith.constant 0 : i32
    %dma_wait3A_471 = tpu.memref_slice %arg7[%dma_wait3A_469, %dma_wait3A_470] : memref<256x128xf32, #tpu.memory_space<vmem>> -> memref<128x128xf32, #tpu.memory_space<vmem>>
    tpu.wait_dma2 semaphore(%arg13 : memref<!tpu.dma_semaphore, #tpu.memory_space<semaphore_mem>>) src(%dma_wait3A_471 : memref<128x128xf32, #tpu.memory_space<vmem>>) dst(%dma_wait3A_468 : memref<128x128xf32, #tpu.memory_space<hbm>>)
    %dma_start3A_472 = arith.constant 2560 : i32
    %dma_start3A_473 = tpu.memref_slice %arg5[%dma_start3A_472] : memref<3328xi32, #tpu.memory_space<vmem>> -> memref<256xi32, #tpu.memory_space<vmem>>
    %dma_start3A_474 = arith.constant 0 : i32
    %dma_start3A_475 = arith.constant 0 : i32
    %dma_start3A_476 = tpu.memref_slice %arg3[%dma_start3A_474, %dma_start3A_475] : memref<100000x128xf32, #tpu.memory_space<hbm>> -> memref<100000x128xf32, #tpu.memory_space<hbm>>
    tpu.enqueue_indirect_dma source(%dma_start3A_476 : memref<100000x128xf32, #tpu.memory_space<hbm>>) target(%arg7 : memref<256x128xf32, #tpu.memory_space<vmem>>) offsets(%dma_start3A_473 : memref<256xi32, #tpu.memory_space<vmem>>) semaphore(%arg10 : memref<!tpu.dma_semaphore, #tpu.memory_space<semaphore_mem>>)
    %dma_wait3A_477 = arith.constant 0 : i32
    %dma_wait3A_478 = tpu.memref_slice %arg5[%dma_wait3A_477] : memref<3328xi32, #tpu.memory_space<vmem>> -> memref<256xi32, #tpu.memory_space<vmem>>
    %dma_wait3A_479 = arith.constant 0 : i32
    %dma_wait3A_480 = arith.constant 0 : i32
    %dma_wait3A_481 = tpu.memref_slice %arg3[%dma_wait3A_479, %dma_wait3A_480] : memref<100000x128xf32, #tpu.memory_space<hbm>> -> memref<100000x128xf32, #tpu.memory_space<hbm>>
    tpu.wait_indirect_dma semaphore(%arg9 : memref<!tpu.dma_semaphore, #tpu.memory_space<semaphore_mem>>) src(%dma_wait3A_481 : memref<100000x128xf32, #tpu.memory_space<hbm>>) dst(%arg6 : memref<256x128xf32, #tpu.memory_space<vmem>>)
    %add3A_482 = arith.constant 73728 : i32
    %add3A_483 = arith.addi %add3A_482, %mul3A_2 : i32
    %dma_start3A_484 = arith.constant 0 : i32
    %dma_start3A_485 = arith.constant 0 : i32
    %dma_start3A_486 = tpu.memref_slice %arg6[%dma_start3A_484, %dma_start3A_485] : memref<256x128xf32, #tpu.memory_space<vmem>> -> memref<128x128xf32, #tpu.memory_space<vmem>>
    %dma_start3A_487 = arith.constant 0 : i32
    %dma_start3A_488 = tpu.memref_slice %arg4[%add3A_483, %dma_start3A_487] : memref<106496x128xf32, #tpu.memory_space<hbm>> -> memref<128x128xf32, #tpu.memory_space<hbm>>
    %dma_start3A_489 = arith.constant 0 : i32
    %dma_start3A_490 = tpu.memref_slice %arg4[%add3A_483, %dma_start3A_489] : memref<106496x128xf32, #tpu.memory_space<hbm>> -> memref<128x128xf32, #tpu.memory_space<hbm>>
    %dma_start3A_491 = arith.constant 0 : i32
    %dma_start3A_492 = arith.constant 0 : i32
    %dma_start3A_493 = tpu.memref_slice %arg6[%dma_start3A_491, %dma_start3A_492] : memref<256x128xf32, #tpu.memory_space<vmem>> -> memref<128x128xf32, #tpu.memory_space<vmem>>
    tpu.enqueue_dma source(%dma_start3A_493 : memref<128x128xf32, #tpu.memory_space<vmem>>) target(%dma_start3A_490 : memref<128x128xf32, #tpu.memory_space<hbm>>) target_semaphore(%arg12 : memref<!tpu.dma_semaphore, #tpu.memory_space<semaphore_mem>>)
    %add3A_494 = arith.constant 77824 : i32
    %add3A_495 = arith.addi %add3A_494, %mul3A_2 : i32
    %dma_start3A_496 = arith.constant 128 : i32
    %dma_start3A_497 = arith.constant 0 : i32
    %dma_start3A_498 = tpu.memref_slice %arg6[%dma_start3A_496, %dma_start3A_497] : memref<256x128xf32, #tpu.memory_space<vmem>> -> memref<128x128xf32, #tpu.memory_space<vmem>>
    %dma_start3A_499 = arith.constant 0 : i32
    %dma_start3A_500 = tpu.memref_slice %arg4[%add3A_495, %dma_start3A_499] : memref<106496x128xf32, #tpu.memory_space<hbm>> -> memref<128x128xf32, #tpu.memory_space<hbm>>
    %dma_start3A_501 = arith.constant 0 : i32
    %dma_start3A_502 = tpu.memref_slice %arg4[%add3A_495, %dma_start3A_501] : memref<106496x128xf32, #tpu.memory_space<hbm>> -> memref<128x128xf32, #tpu.memory_space<hbm>>
    %dma_start3A_503 = arith.constant 128 : i32
    %dma_start3A_504 = arith.constant 0 : i32
    %dma_start3A_505 = tpu.memref_slice %arg6[%dma_start3A_503, %dma_start3A_504] : memref<256x128xf32, #tpu.memory_space<vmem>> -> memref<128x128xf32, #tpu.memory_space<vmem>>
    tpu.enqueue_dma source(%dma_start3A_505 : memref<128x128xf32, #tpu.memory_space<vmem>>) target(%dma_start3A_502 : memref<128x128xf32, #tpu.memory_space<hbm>>) target_semaphore(%arg12 : memref<!tpu.dma_semaphore, #tpu.memory_space<semaphore_mem>>)
    %dma_wait3A_506 = arith.constant 0 : i32
    %dma_wait3A_507 = arith.constant 0 : i32
    %dma_wait3A_508 = tpu.memref_slice %arg8[%dma_wait3A_506, %dma_wait3A_507] : memref<256x128xf32, #tpu.memory_space<vmem>> -> memref<128x128xf32, #tpu.memory_space<vmem>>
    %dma_wait3A_509 = arith.constant 0 : i32
    %dma_wait3A_510 = tpu.memref_slice %arg4[%mul3A_2, %dma_wait3A_509] : memref<106496x128xf32, #tpu.memory_space<hbm>> -> memref<128x128xf32, #tpu.memory_space<hbm>>
    %dma_wait3A_511 = arith.constant 0 : i32
    %dma_wait3A_512 = tpu.memref_slice %arg4[%mul3A_2, %dma_wait3A_511] : memref<106496x128xf32, #tpu.memory_space<hbm>> -> memref<128x128xf32, #tpu.memory_space<hbm>>
    %dma_wait3A_513 = arith.constant 0 : i32
    %dma_wait3A_514 = arith.constant 0 : i32
    %dma_wait3A_515 = tpu.memref_slice %arg8[%dma_wait3A_513, %dma_wait3A_514] : memref<256x128xf32, #tpu.memory_space<vmem>> -> memref<128x128xf32, #tpu.memory_space<vmem>>
    tpu.wait_dma2 semaphore(%arg14 : memref<!tpu.dma_semaphore, #tpu.memory_space<semaphore_mem>>) src(%dma_wait3A_515 : memref<128x128xf32, #tpu.memory_space<vmem>>) dst(%dma_wait3A_512 : memref<128x128xf32, #tpu.memory_space<hbm>>)
    %dma_wait3A_516 = arith.constant 0 : i32
    %dma_wait3A_517 = arith.constant 0 : i32
    %dma_wait3A_518 = tpu.memref_slice %arg8[%dma_wait3A_516, %dma_wait3A_517] : memref<256x128xf32, #tpu.memory_space<vmem>> -> memref<128x128xf32, #tpu.memory_space<vmem>>
    %dma_wait3A_519 = arith.constant 0 : i32
    %dma_wait3A_520 = tpu.memref_slice %arg4[%mul3A_2, %dma_wait3A_519] : memref<106496x128xf32, #tpu.memory_space<hbm>> -> memref<128x128xf32, #tpu.memory_space<hbm>>
    %dma_wait3A_521 = arith.constant 0 : i32
    %dma_wait3A_522 = tpu.memref_slice %arg4[%mul3A_2, %dma_wait3A_521] : memref<106496x128xf32, #tpu.memory_space<hbm>> -> memref<128x128xf32, #tpu.memory_space<hbm>>
    %dma_wait3A_523 = arith.constant 0 : i32
    %dma_wait3A_524 = arith.constant 0 : i32
    %dma_wait3A_525 = tpu.memref_slice %arg8[%dma_wait3A_523, %dma_wait3A_524] : memref<256x128xf32, #tpu.memory_space<vmem>> -> memref<128x128xf32, #tpu.memory_space<vmem>>
    tpu.wait_dma2 semaphore(%arg14 : memref<!tpu.dma_semaphore, #tpu.memory_space<semaphore_mem>>) src(%dma_wait3A_525 : memref<128x128xf32, #tpu.memory_space<vmem>>) dst(%dma_wait3A_522 : memref<128x128xf32, #tpu.memory_space<hbm>>)
    %dma_start3A_526 = arith.constant 2816 : i32
    %dma_start3A_527 = tpu.memref_slice %arg5[%dma_start3A_526] : memref<3328xi32, #tpu.memory_space<vmem>> -> memref<256xi32, #tpu.memory_space<vmem>>
    %dma_start3A_528 = arith.constant 0 : i32
    %dma_start3A_529 = arith.constant 0 : i32
    %dma_start3A_530 = tpu.memref_slice %arg3[%dma_start3A_528, %dma_start3A_529] : memref<100000x128xf32, #tpu.memory_space<hbm>> -> memref<100000x128xf32, #tpu.memory_space<hbm>>
    tpu.enqueue_indirect_dma source(%dma_start3A_530 : memref<100000x128xf32, #tpu.memory_space<hbm>>) target(%arg8 : memref<256x128xf32, #tpu.memory_space<vmem>>) offsets(%dma_start3A_527 : memref<256xi32, #tpu.memory_space<vmem>>) semaphore(%arg11 : memref<!tpu.dma_semaphore, #tpu.memory_space<semaphore_mem>>)
    %dma_wait3A_531 = arith.constant 0 : i32
    %dma_wait3A_532 = tpu.memref_slice %arg5[%dma_wait3A_531] : memref<3328xi32, #tpu.memory_space<vmem>> -> memref<256xi32, #tpu.memory_space<vmem>>
    %dma_wait3A_533 = arith.constant 0 : i32
    %dma_wait3A_534 = arith.constant 0 : i32
    %dma_wait3A_535 = tpu.memref_slice %arg3[%dma_wait3A_533, %dma_wait3A_534] : memref<100000x128xf32, #tpu.memory_space<hbm>> -> memref<100000x128xf32, #tpu.memory_space<hbm>>
    tpu.wait_indirect_dma semaphore(%arg10 : memref<!tpu.dma_semaphore, #tpu.memory_space<semaphore_mem>>) src(%dma_wait3A_535 : memref<100000x128xf32, #tpu.memory_space<hbm>>) dst(%arg7 : memref<256x128xf32, #tpu.memory_space<vmem>>)
    %add3A_536 = arith.constant 81920 : i32
    %add3A_537 = arith.addi %add3A_536, %mul3A_2 : i32
    %dma_start3A_538 = arith.constant 0 : i32
    %dma_start3A_539 = arith.constant 0 : i32
    %dma_start3A_540 = tpu.memref_slice %arg7[%dma_start3A_538, %dma_start3A_539] : memref<256x128xf32, #tpu.memory_space<vmem>> -> memref<128x128xf32, #tpu.memory_space<vmem>>
    %dma_start3A_541 = arith.constant 0 : i32
    %dma_start3A_542 = tpu.memref_slice %arg4[%add3A_537, %dma_start3A_541] : memref<106496x128xf32, #tpu.memory_space<hbm>> -> memref<128x128xf32, #tpu.memory_space<hbm>>
    %dma_start3A_543 = arith.constant 0 : i32
    %dma_start3A_544 = tpu.memref_slice %arg4[%add3A_537, %dma_start3A_543] : memref<106496x128xf32, #tpu.memory_space<hbm>> -> memref<128x128xf32, #tpu.memory_space<hbm>>
    %dma_start3A_545 = arith.constant 0 : i32
    %dma_start3A_546 = arith.constant 0 : i32
    %dma_start3A_547 = tpu.memref_slice %arg7[%dma_start3A_545, %dma_start3A_546] : memref<256x128xf32, #tpu.memory_space<vmem>> -> memref<128x128xf32, #tpu.memory_space<vmem>>
    tpu.enqueue_dma source(%dma_start3A_547 : memref<128x128xf32, #tpu.memory_space<vmem>>) target(%dma_start3A_544 : memref<128x128xf32, #tpu.memory_space<hbm>>) target_semaphore(%arg13 : memref<!tpu.dma_semaphore, #tpu.memory_space<semaphore_mem>>)
    %add3A_548 = arith.constant 86016 : i32
    %add3A_549 = arith.addi %add3A_548, %mul3A_2 : i32
    %dma_start3A_550 = arith.constant 128 : i32
    %dma_start3A_551 = arith.constant 0 : i32
    %dma_start3A_552 = tpu.memref_slice %arg7[%dma_start3A_550, %dma_start3A_551] : memref<256x128xf32, #tpu.memory_space<vmem>> -> memref<128x128xf32, #tpu.memory_space<vmem>>
    %dma_start3A_553 = arith.constant 0 : i32
    %dma_start3A_554 = tpu.memref_slice %arg4[%add3A_549, %dma_start3A_553] : memref<106496x128xf32, #tpu.memory_space<hbm>> -> memref<128x128xf32, #tpu.memory_space<hbm>>
    %dma_start3A_555 = arith.constant 0 : i32
    %dma_start3A_556 = tpu.memref_slice %arg4[%add3A_549, %dma_start3A_555] : memref<106496x128xf32, #tpu.memory_space<hbm>> -> memref<128x128xf32, #tpu.memory_space<hbm>>
    %dma_start3A_557 = arith.constant 128 : i32
    %dma_start3A_558 = arith.constant 0 : i32
    %dma_start3A_559 = tpu.memref_slice %arg7[%dma_start3A_557, %dma_start3A_558] : memref<256x128xf32, #tpu.memory_space<vmem>> -> memref<128x128xf32, #tpu.memory_space<vmem>>
    tpu.enqueue_dma source(%dma_start3A_559 : memref<128x128xf32, #tpu.memory_space<vmem>>) target(%dma_start3A_556 : memref<128x128xf32, #tpu.memory_space<hbm>>) target_semaphore(%arg13 : memref<!tpu.dma_semaphore, #tpu.memory_space<semaphore_mem>>)
    %dma_wait3A_560 = arith.constant 0 : i32
    %dma_wait3A_561 = arith.constant 0 : i32
    %dma_wait3A_562 = tpu.memref_slice %arg6[%dma_wait3A_560, %dma_wait3A_561] : memref<256x128xf32, #tpu.memory_space<vmem>> -> memref<128x128xf32, #tpu.memory_space<vmem>>
    %dma_wait3A_563 = arith.constant 0 : i32
    %dma_wait3A_564 = tpu.memref_slice %arg4[%mul3A_2, %dma_wait3A_563] : memref<106496x128xf32, #tpu.memory_space<hbm>> -> memref<128x128xf32, #tpu.memory_space<hbm>>
    %dma_wait3A_565 = arith.constant 0 : i32
    %dma_wait3A_566 = tpu.memref_slice %arg4[%mul3A_2, %dma_wait3A_565] : memref<106496x128xf32, #tpu.memory_space<hbm>> -> memref<128x128xf32, #tpu.memory_space<hbm>>
    %dma_wait3A_567 = arith.constant 0 : i32
    %dma_wait3A_568 = arith.constant 0 : i32
    %dma_wait3A_569 = tpu.memref_slice %arg6[%dma_wait3A_567, %dma_wait3A_568] : memref<256x128xf32, #tpu.memory_space<vmem>> -> memref<128x128xf32, #tpu.memory_space<vmem>>
    tpu.wait_dma2 semaphore(%arg12 : memref<!tpu.dma_semaphore, #tpu.memory_space<semaphore_mem>>) src(%dma_wait3A_569 : memref<128x128xf32, #tpu.memory_space<vmem>>) dst(%dma_wait3A_566 : memref<128x128xf32, #tpu.memory_space<hbm>>)
    %dma_wait3A_570 = arith.constant 0 : i32
    %dma_wait3A_571 = arith.constant 0 : i32
    %dma_wait3A_572 = tpu.memref_slice %arg6[%dma_wait3A_570, %dma_wait3A_571] : memref<256x128xf32, #tpu.memory_space<vmem>> -> memref<128x128xf32, #tpu.memory_space<vmem>>
    %dma_wait3A_573 = arith.constant 0 : i32
    %dma_wait3A_574 = tpu.memref_slice %arg4[%mul3A_2, %dma_wait3A_573] : memref<106496x128xf32, #tpu.memory_space<hbm>> -> memref<128x128xf32, #tpu.memory_space<hbm>>
    %dma_wait3A_575 = arith.constant 0 : i32
    %dma_wait3A_576 = tpu.memref_slice %arg4[%mul3A_2, %dma_wait3A_575] : memref<106496x128xf32, #tpu.memory_space<hbm>> -> memref<128x128xf32, #tpu.memory_space<hbm>>
    %dma_wait3A_577 = arith.constant 0 : i32
    %dma_wait3A_578 = arith.constant 0 : i32
    %dma_wait3A_579 = tpu.memref_slice %arg6[%dma_wait3A_577, %dma_wait3A_578] : memref<256x128xf32, #tpu.memory_space<vmem>> -> memref<128x128xf32, #tpu.memory_space<vmem>>
    tpu.wait_dma2 semaphore(%arg12 : memref<!tpu.dma_semaphore, #tpu.memory_space<semaphore_mem>>) src(%dma_wait3A_579 : memref<128x128xf32, #tpu.memory_space<vmem>>) dst(%dma_wait3A_576 : memref<128x128xf32, #tpu.memory_space<hbm>>)
    %dma_start3A_580 = arith.constant 3072 : i32
    %dma_start3A_581 = tpu.memref_slice %arg5[%dma_start3A_580] : memref<3328xi32, #tpu.memory_space<vmem>> -> memref<256xi32, #tpu.memory_space<vmem>>
    %dma_start3A_582 = arith.constant 0 : i32
    %dma_start3A_583 = arith.constant 0 : i32
    %dma_start3A_584 = tpu.memref_slice %arg3[%dma_start3A_582, %dma_start3A_583] : memref<100000x128xf32, #tpu.memory_space<hbm>> -> memref<100000x128xf32, #tpu.memory_space<hbm>>
    tpu.enqueue_indirect_dma source(%dma_start3A_584 : memref<100000x128xf32, #tpu.memory_space<hbm>>) target(%arg6 : memref<256x128xf32, #tpu.memory_space<vmem>>) offsets(%dma_start3A_581 : memref<256xi32, #tpu.memory_space<vmem>>) semaphore(%arg9 : memref<!tpu.dma_semaphore, #tpu.memory_space<semaphore_mem>>)
    %dma_wait3A_585 = arith.constant 0 : i32
    %dma_wait3A_586 = tpu.memref_slice %arg5[%dma_wait3A_585] : memref<3328xi32, #tpu.memory_space<vmem>> -> memref<256xi32, #tpu.memory_space<vmem>>
    %dma_wait3A_587 = arith.constant 0 : i32
    %dma_wait3A_588 = arith.constant 0 : i32
    %dma_wait3A_589 = tpu.memref_slice %arg3[%dma_wait3A_587, %dma_wait3A_588] : memref<100000x128xf32, #tpu.memory_space<hbm>> -> memref<100000x128xf32, #tpu.memory_space<hbm>>
    tpu.wait_indirect_dma semaphore(%arg11 : memref<!tpu.dma_semaphore, #tpu.memory_space<semaphore_mem>>) src(%dma_wait3A_589 : memref<100000x128xf32, #tpu.memory_space<hbm>>) dst(%arg8 : memref<256x128xf32, #tpu.memory_space<vmem>>)
    %add3A_590 = arith.constant 90112 : i32
    %add3A_591 = arith.addi %add3A_590, %mul3A_2 : i32
    %dma_start3A_592 = arith.constant 0 : i32
    %dma_start3A_593 = arith.constant 0 : i32
    %dma_start3A_594 = tpu.memref_slice %arg8[%dma_start3A_592, %dma_start3A_593] : memref<256x128xf32, #tpu.memory_space<vmem>> -> memref<128x128xf32, #tpu.memory_space<vmem>>
    %dma_start3A_595 = arith.constant 0 : i32
    %dma_start3A_596 = tpu.memref_slice %arg4[%add3A_591, %dma_start3A_595] : memref<106496x128xf32, #tpu.memory_space<hbm>> -> memref<128x128xf32, #tpu.memory_space<hbm>>
    %dma_start3A_597 = arith.constant 0 : i32
    %dma_start3A_598 = tpu.memref_slice %arg4[%add3A_591, %dma_start3A_597] : memref<106496x128xf32, #tpu.memory_space<hbm>> -> memref<128x128xf32, #tpu.memory_space<hbm>>
    %dma_start3A_599 = arith.constant 0 : i32
    %dma_start3A_600 = arith.constant 0 : i32
    %dma_start3A_601 = tpu.memref_slice %arg8[%dma_start3A_599, %dma_start3A_600] : memref<256x128xf32, #tpu.memory_space<vmem>> -> memref<128x128xf32, #tpu.memory_space<vmem>>
    tpu.enqueue_dma source(%dma_start3A_601 : memref<128x128xf32, #tpu.memory_space<vmem>>) target(%dma_start3A_598 : memref<128x128xf32, #tpu.memory_space<hbm>>) target_semaphore(%arg14 : memref<!tpu.dma_semaphore, #tpu.memory_space<semaphore_mem>>)
    %add3A_602 = arith.constant 94208 : i32
    %add3A_603 = arith.addi %add3A_602, %mul3A_2 : i32
    %dma_start3A_604 = arith.constant 128 : i32
    %dma_start3A_605 = arith.constant 0 : i32
    %dma_start3A_606 = tpu.memref_slice %arg8[%dma_start3A_604, %dma_start3A_605] : memref<256x128xf32, #tpu.memory_space<vmem>> -> memref<128x128xf32, #tpu.memory_space<vmem>>
    %dma_start3A_607 = arith.constant 0 : i32
    %dma_start3A_608 = tpu.memref_slice %arg4[%add3A_603, %dma_start3A_607] : memref<106496x128xf32, #tpu.memory_space<hbm>> -> memref<128x128xf32, #tpu.memory_space<hbm>>
    %dma_start3A_609 = arith.constant 0 : i32
    %dma_start3A_610 = tpu.memref_slice %arg4[%add3A_603, %dma_start3A_609] : memref<106496x128xf32, #tpu.memory_space<hbm>> -> memref<128x128xf32, #tpu.memory_space<hbm>>
    %dma_start3A_611 = arith.constant 128 : i32
    %dma_start3A_612 = arith.constant 0 : i32
    %dma_start3A_613 = tpu.memref_slice %arg8[%dma_start3A_611, %dma_start3A_612] : memref<256x128xf32, #tpu.memory_space<vmem>> -> memref<128x128xf32, #tpu.memory_space<vmem>>
    tpu.enqueue_dma source(%dma_start3A_613 : memref<128x128xf32, #tpu.memory_space<vmem>>) target(%dma_start3A_610 : memref<128x128xf32, #tpu.memory_space<hbm>>) target_semaphore(%arg14 : memref<!tpu.dma_semaphore, #tpu.memory_space<semaphore_mem>>)
    %dma_wait3A_614 = arith.constant 0 : i32
    %dma_wait3A_615 = tpu.memref_slice %arg5[%dma_wait3A_614] : memref<3328xi32, #tpu.memory_space<vmem>> -> memref<256xi32, #tpu.memory_space<vmem>>
    %dma_wait3A_616 = arith.constant 0 : i32
    %dma_wait3A_617 = arith.constant 0 : i32
    %dma_wait3A_618 = tpu.memref_slice %arg3[%dma_wait3A_616, %dma_wait3A_617] : memref<100000x128xf32, #tpu.memory_space<hbm>> -> memref<100000x128xf32, #tpu.memory_space<hbm>>
    tpu.wait_indirect_dma semaphore(%arg9 : memref<!tpu.dma_semaphore, #tpu.memory_space<semaphore_mem>>) src(%dma_wait3A_618 : memref<100000x128xf32, #tpu.memory_space<hbm>>) dst(%arg6 : memref<256x128xf32, #tpu.memory_space<vmem>>)
    %add3A_619 = arith.constant 98304 : i32
    %add3A_620 = arith.addi %add3A_619, %mul3A_2 : i32
    %dma_start3A_621 = arith.constant 0 : i32
    %dma_start3A_622 = arith.constant 0 : i32
    %dma_start3A_623 = tpu.memref_slice %arg6[%dma_start3A_621, %dma_start3A_622] : memref<256x128xf32, #tpu.memory_space<vmem>> -> memref<128x128xf32, #tpu.memory_space<vmem>>
    %dma_start3A_624 = arith.constant 0 : i32
    %dma_start3A_625 = tpu.memref_slice %arg4[%add3A_620, %dma_start3A_624] : memref<106496x128xf32, #tpu.memory_space<hbm>> -> memref<128x128xf32, #tpu.memory_space<hbm>>
    %dma_start3A_626 = arith.constant 0 : i32
    %dma_start3A_627 = tpu.memref_slice %arg4[%add3A_620, %dma_start3A_626] : memref<106496x128xf32, #tpu.memory_space<hbm>> -> memref<128x128xf32, #tpu.memory_space<hbm>>
    %dma_start3A_628 = arith.constant 0 : i32
    %dma_start3A_629 = arith.constant 0 : i32
    %dma_start3A_630 = tpu.memref_slice %arg6[%dma_start3A_628, %dma_start3A_629] : memref<256x128xf32, #tpu.memory_space<vmem>> -> memref<128x128xf32, #tpu.memory_space<vmem>>
    tpu.enqueue_dma source(%dma_start3A_630 : memref<128x128xf32, #tpu.memory_space<vmem>>) target(%dma_start3A_627 : memref<128x128xf32, #tpu.memory_space<hbm>>) target_semaphore(%arg12 : memref<!tpu.dma_semaphore, #tpu.memory_space<semaphore_mem>>)
    %add3A_631 = arith.constant 102400 : i32
    %add3A_632 = arith.addi %add3A_631, %mul3A_2 : i32
    %dma_start3A_633 = arith.constant 128 : i32
    %dma_start3A_634 = arith.constant 0 : i32
    %dma_start3A_635 = tpu.memref_slice %arg6[%dma_start3A_633, %dma_start3A_634] : memref<256x128xf32, #tpu.memory_space<vmem>> -> memref<128x128xf32, #tpu.memory_space<vmem>>
    %dma_start3A_636 = arith.constant 0 : i32
    %dma_start3A_637 = tpu.memref_slice %arg4[%add3A_632, %dma_start3A_636] : memref<106496x128xf32, #tpu.memory_space<hbm>> -> memref<128x128xf32, #tpu.memory_space<hbm>>
    %dma_start3A_638 = arith.constant 0 : i32
    %dma_start3A_639 = tpu.memref_slice %arg4[%add3A_632, %dma_start3A_638] : memref<106496x128xf32, #tpu.memory_space<hbm>> -> memref<128x128xf32, #tpu.memory_space<hbm>>
    %dma_start3A_640 = arith.constant 128 : i32
    %dma_start3A_641 = arith.constant 0 : i32
    %dma_start3A_642 = tpu.memref_slice %arg6[%dma_start3A_640, %dma_start3A_641] : memref<256x128xf32, #tpu.memory_space<vmem>> -> memref<128x128xf32, #tpu.memory_space<vmem>>
    tpu.enqueue_dma source(%dma_start3A_642 : memref<128x128xf32, #tpu.memory_space<vmem>>) target(%dma_start3A_639 : memref<128x128xf32, #tpu.memory_space<hbm>>) target_semaphore(%arg12 : memref<!tpu.dma_semaphore, #tpu.memory_space<semaphore_mem>>)
    %dma_wait3A_643 = arith.constant 0 : i32
    %dma_wait3A_644 = arith.constant 0 : i32
    %dma_wait3A_645 = tpu.memref_slice %arg6[%dma_wait3A_643, %dma_wait3A_644] : memref<256x128xf32, #tpu.memory_space<vmem>> -> memref<128x128xf32, #tpu.memory_space<vmem>>
    %dma_wait3A_646 = arith.constant 0 : i32
    %dma_wait3A_647 = tpu.memref_slice %arg4[%mul3A_2, %dma_wait3A_646] : memref<106496x128xf32, #tpu.memory_space<hbm>> -> memref<128x128xf32, #tpu.memory_space<hbm>>
    %dma_wait3A_648 = arith.constant 0 : i32
    %dma_wait3A_649 = tpu.memref_slice %arg4[%mul3A_2, %dma_wait3A_648] : memref<106496x128xf32, #tpu.memory_space<hbm>> -> memref<128x128xf32, #tpu.memory_space<hbm>>
    %dma_wait3A_650 = arith.constant 0 : i32
    %dma_wait3A_651 = arith.constant 0 : i32
    %dma_wait3A_652 = tpu.memref_slice %arg6[%dma_wait3A_650, %dma_wait3A_651] : memref<256x128xf32, #tpu.memory_space<vmem>> -> memref<128x128xf32, #tpu.memory_space<vmem>>
    tpu.wait_dma2 semaphore(%arg12 : memref<!tpu.dma_semaphore, #tpu.memory_space<semaphore_mem>>) src(%dma_wait3A_652 : memref<128x128xf32, #tpu.memory_space<vmem>>) dst(%dma_wait3A_649 : memref<128x128xf32, #tpu.memory_space<hbm>>)
    %dma_wait3A_653 = arith.constant 0 : i32
    %dma_wait3A_654 = arith.constant 0 : i32
    %dma_wait3A_655 = tpu.memref_slice %arg6[%dma_wait3A_653, %dma_wait3A_654] : memref<256x128xf32, #tpu.memory_space<vmem>> -> memref<128x128xf32, #tpu.memory_space<vmem>>
    %dma_wait3A_656 = arith.constant 0 : i32
    %dma_wait3A_657 = tpu.memref_slice %arg4[%mul3A_2, %dma_wait3A_656] : memref<106496x128xf32, #tpu.memory_space<hbm>> -> memref<128x128xf32, #tpu.memory_space<hbm>>
    %dma_wait3A_658 = arith.constant 0 : i32
    %dma_wait3A_659 = tpu.memref_slice %arg4[%mul3A_2, %dma_wait3A_658] : memref<106496x128xf32, #tpu.memory_space<hbm>> -> memref<128x128xf32, #tpu.memory_space<hbm>>
    %dma_wait3A_660 = arith.constant 0 : i32
    %dma_wait3A_661 = arith.constant 0 : i32
    %dma_wait3A_662 = tpu.memref_slice %arg6[%dma_wait3A_660, %dma_wait3A_661] : memref<256x128xf32, #tpu.memory_space<vmem>> -> memref<128x128xf32, #tpu.memory_space<vmem>>
    tpu.wait_dma2 semaphore(%arg12 : memref<!tpu.dma_semaphore, #tpu.memory_space<semaphore_mem>>) src(%dma_wait3A_662 : memref<128x128xf32, #tpu.memory_space<vmem>>) dst(%dma_wait3A_659 : memref<128x128xf32, #tpu.memory_space<hbm>>)
    %dma_wait3A_663 = arith.constant 0 : i32
    %dma_wait3A_664 = arith.constant 0 : i32
    %dma_wait3A_665 = tpu.memref_slice %arg7[%dma_wait3A_663, %dma_wait3A_664] : memref<256x128xf32, #tpu.memory_space<vmem>> -> memref<128x128xf32, #tpu.memory_space<vmem>>
    %dma_wait3A_666 = arith.constant 0 : i32
    %dma_wait3A_667 = tpu.memref_slice %arg4[%mul3A_2, %dma_wait3A_666] : memref<106496x128xf32, #tpu.memory_space<hbm>> -> memref<128x128xf32, #tpu.memory_space<hbm>>
    %dma_wait3A_668 = arith.constant 0 : i32
    %dma_wait3A_669 = tpu.memref_slice %arg4[%mul3A_2, %dma_wait3A_668] : memref<106496x128xf32, #tpu.memory_space<hbm>> -> memref<128x128xf32, #tpu.memory_space<hbm>>
    %dma_wait3A_670 = arith.constant 0 : i32
    %dma_wait3A_671 = arith.constant 0 : i32
    %dma_wait3A_672 = tpu.memref_slice %arg7[%dma_wait3A_670, %dma_wait3A_671] : memref<256x128xf32, #tpu.memory_space<vmem>> -> memref<128x128xf32, #tpu.memory_space<vmem>>
    tpu.wait_dma2 semaphore(%arg13 : memref<!tpu.dma_semaphore, #tpu.memory_space<semaphore_mem>>) src(%dma_wait3A_672 : memref<128x128xf32, #tpu.memory_space<vmem>>) dst(%dma_wait3A_669 : memref<128x128xf32, #tpu.memory_space<hbm>>)
    %dma_wait3A_673 = arith.constant 0 : i32
    %dma_wait3A_674 = arith.constant 0 : i32
    %dma_wait3A_675 = tpu.memref_slice %arg7[%dma_wait3A_673, %dma_wait3A_674] : memref<256x128xf32, #tpu.memory_space<vmem>> -> memref<128x128xf32, #tpu.memory_space<vmem>>
    %dma_wait3A_676 = arith.constant 0 : i32
    %dma_wait3A_677 = tpu.memref_slice %arg4[%mul3A_2, %dma_wait3A_676] : memref<106496x128xf32, #tpu.memory_space<hbm>> -> memref<128x128xf32, #tpu.memory_space<hbm>>
    %dma_wait3A_678 = arith.constant 0 : i32
    %dma_wait3A_679 = tpu.memref_slice %arg4[%mul3A_2, %dma_wait3A_678] : memref<106496x128xf32, #tpu.memory_space<hbm>> -> memref<128x128xf32, #tpu.memory_space<hbm>>
    %dma_wait3A_680 = arith.constant 0 : i32
    %dma_wait3A_681 = arith.constant 0 : i32
    %dma_wait3A_682 = tpu.memref_slice %arg7[%dma_wait3A_680, %dma_wait3A_681] : memref<256x128xf32, #tpu.memory_space<vmem>> -> memref<128x128xf32, #tpu.memory_space<vmem>>
    tpu.wait_dma2 semaphore(%arg13 : memref<!tpu.dma_semaphore, #tpu.memory_space<semaphore_mem>>) src(%dma_wait3A_682 : memref<128x128xf32, #tpu.memory_space<vmem>>) dst(%dma_wait3A_679 : memref<128x128xf32, #tpu.memory_space<hbm>>)
    %dma_wait3A_683 = arith.constant 0 : i32
    %dma_wait3A_684 = arith.constant 0 : i32
    %dma_wait3A_685 = tpu.memref_slice %arg8[%dma_wait3A_683, %dma_wait3A_684] : memref<256x128xf32, #tpu.memory_space<vmem>> -> memref<128x128xf32, #tpu.memory_space<vmem>>
    %dma_wait3A_686 = arith.constant 0 : i32
    %dma_wait3A_687 = tpu.memref_slice %arg4[%mul3A_2, %dma_wait3A_686] : memref<106496x128xf32, #tpu.memory_space<hbm>> -> memref<128x128xf32, #tpu.memory_space<hbm>>
    %dma_wait3A_688 = arith.constant 0 : i32
    %dma_wait3A_689 = tpu.memref_slice %arg4[%mul3A_2, %dma_wait3A_688] : memref<106496x128xf32, #tpu.memory_space<hbm>> -> memref<128x128xf32, #tpu.memory_space<hbm>>
    %dma_wait3A_690 = arith.constant 0 : i32
    %dma_wait3A_691 = arith.constant 0 : i32
    %dma_wait3A_692 = tpu.memref_slice %arg8[%dma_wait3A_690, %dma_wait3A_691] : memref<256x128xf32, #tpu.memory_space<vmem>> -> memref<128x128xf32, #tpu.memory_space<vmem>>
    tpu.wait_dma2 semaphore(%arg14 : memref<!tpu.dma_semaphore, #tpu.memory_space<semaphore_mem>>) src(%dma_wait3A_692 : memref<128x128xf32, #tpu.memory_space<vmem>>) dst(%dma_wait3A_689 : memref<128x128xf32, #tpu.memory_space<hbm>>)
    %dma_wait3A_693 = arith.constant 0 : i32
    %dma_wait3A_694 = arith.constant 0 : i32
    %dma_wait3A_695 = tpu.memref_slice %arg8[%dma_wait3A_693, %dma_wait3A_694] : memref<256x128xf32, #tpu.memory_space<vmem>> -> memref<128x128xf32, #tpu.memory_space<vmem>>
    %dma_wait3A_696 = arith.constant 0 : i32
    %dma_wait3A_697 = tpu.memref_slice %arg4[%mul3A_2, %dma_wait3A_696] : memref<106496x128xf32, #tpu.memory_space<hbm>> -> memref<128x128xf32, #tpu.memory_space<hbm>>
    %dma_wait3A_698 = arith.constant 0 : i32
    %dma_wait3A_699 = tpu.memref_slice %arg4[%mul3A_2, %dma_wait3A_698] : memref<106496x128xf32, #tpu.memory_space<hbm>> -> memref<128x128xf32, #tpu.memory_space<hbm>>
    %dma_wait3A_700 = arith.constant 0 : i32
    %dma_wait3A_701 = arith.constant 0 : i32
    %dma_wait3A_702 = tpu.memref_slice %arg8[%dma_wait3A_700, %dma_wait3A_701] : memref<256x128xf32, #tpu.memory_space<vmem>> -> memref<128x128xf32, #tpu.memory_space<vmem>>
    tpu.wait_dma2 semaphore(%arg14 : memref<!tpu.dma_semaphore, #tpu.memory_space<semaphore_mem>>) src(%dma_wait3A_702 : memref<128x128xf32, #tpu.memory_space<vmem>>) dst(%dma_wait3A_699 : memref<128x128xf32, #tpu.memory_space<hbm>>)
    return
  }
}

</mosaic_0001>

<sc_bundles>
// kernel: kernel.3.cloned.1.call-start
scs
__scs_entry_jumppad:
0x0: {  	(pc) =	sbr.rel $0x88, $3  }
0x1: {  	(tag) =	ssettag $0x0;
	lr =	simm.s32 $0x1  }
0x2: {  	[smem:$0x3F9F] =	sst lr;
	_ =	strace $0xD0000000  }
0x3: {  	_ = 	snop  }
0x4: {  	_ = 	snop  }
0x5: {  	_ = 	snop  }
0x6: {  	_ = 	snop  }
0x7: {  	_ = 	snop  }
__scs_overlays_trampoline_lowered:
0x8: {  	[smem:$0x3FAE] =	sst s0  }
0x9: {  	[smem:$0x3FAF] =	sst s1  }
0xa: {  	[smem:$0x3FB0] =	sst s2  }
0xb: {  	[smem:$0x3FB1] =	sst s3  }
0xc: {  	[smem:$0x3FB2] =	sst s4  }
0xd: {  	[smem:$0x3FB3] =	sst s5  }
0xe: {  	[smem:$0x3FB4] =	sst s6  }
0xf: {  	[smem:$0x3FB5] =	sst s7  }
0x10: {  	[smem:$0x3FB6] =	sst s8  }
0x11: {  	[smem:$0x3FB7] =	sst s9;
	s0 =	simm.s32 @!p0 $0x0  }
0x12: {  	s1 =	sld [smem:$0x3F9D];
	s0 =	simm.s32 @p0 $0x1  }
0x13: {  	[smem:$0x3FB8] =	sst s0;
	s0 =	simm.s32 @!p1 $0x0  }
0x14: {  	s2 =	sld [smem:$0x3F9C];
	s0 =	simm.s32 @p1 $0x1  }
0x15: {  	[smem:$0x3FB9] =	sst s0;
	s0 =	simm.s32 @!p2 $0x0  }
0x16: {  	s3 =	sld [smem:$0x3FDB];
	s0 =	simm.s32 @p2 $0x1  }
0x17: {  	s4 =	simm.s32 $0x1BF5;
	[smem:$0x3FBB] =	sst s0  }
0x18: {  	s0 =	sld [smem:$0x3F9E];
	_ =	swait.ge [sflag:s4], $0x0  }
0x19: {  	s7 =	sld [smem:$0x3F9F]  }
0x1a: {  	s8 =	sadd.s32 $0xFFFFE003, lr  }
0x1b: {  	s9 =	sadd.s32 $0xFFFFFEF7, lr;
	s5 =	simm.s32 $0xFFFFFFFF;
	p2 =	slt.u32 s8, $0xFFFFF086  }
0x1c: {  	p1 =	slt.u32 s9, $0xF7A;
	s5 =	simm.s32 @!p2 $0x0  }
0x1d: {  	s5 =	simm.s32 @p1 $0x1;
	p0 =	seq.s32 s7, s2  }
0x1e: {  	s7 =	smul.u32 @!p0 $0xF7A, s2;
	p2 =	seq.s32 @!p0 s5, $0x0  }
0x1f: {  	s9 =	smul.u32 $0xF7A, s1;
	s8 =	simm.s32 @!p0 $0x1BF5;
	p2 =	por !p2, p0  }
0x20: {  	[sflag:s8] =	ssyncset.s32 @!p0 $0xFFFFF086;
	s6 =	sadd.s32 @!p0 s3, s7;
	s7 =	simm.s32 @!p0 $0x108  }
0x21: {  	s3 =	sadd.s32 s3, s9;
	s6 =	sadd.s32 @!p0 $0x88, s6;
	s7 =	simm.s32 @p2 $0x1082  }
0x22: {  	[simem:s7], [sflag:s8] =	dma.local @!p0 [hbm:s6], $0xF7A  }
0x23: {  	s9 =	sor.u32 $0xD0000000, s2;
	s6 =	simm.s32 $0x108;
	_ =	swait.ge @!p0 [sflag:s8], $0x0  }
0x24: {  	s3 =	sadd.s32 $0x88, s3;
	s6 =	simm.s32 @!p1 $0x1082;
	[sflag:s4] =	ssyncset.s32 $0xFFFFF086  }
0x25: {  	[simem:s6], [sflag:s4] =	dma.local [hbm:s3], $0xF7A  }
0x26: {  	[smem:$0x3F9F] =	sst s1;
	(tag) =	ssettag s2;
	_ =	strace s9  }
0x27: {  	s1 =	sld [smem:$0x3FAF]  }
0x28: {  	s2 =	sld [smem:$0x3FB0]  }
0x29: {  	s4 =	sld [smem:$0x3FB2]  }
0x2a: {  	p0 =	seq.s32 s5, $0x0;
	s5 =	sld [smem:$0x3FB3]  }
0x2b: {  	s6 =	sld [smem:$0x3FB4]  }
0x2c: {  	s7 =	sld [smem:$0x3FB5]  }
0x2d: {  	s3 =	simm.s32 $0x108;
	s8 =	sld [smem:$0x3FB6]  }
0x2e: {  	s3 =	simm.s32 @!p0 $0x1082;
	s9 =	sld [smem:$0x3FB7]  }
0x2f: {  	lr =	sadd.s32 s0, s3;
	s0 =	sld [smem:$0x3FAE]  }
0x30: {  	s3 =	sld [smem:$0x3FB1]  }
0x31: {  	[smem:$0x3FBA] =	sst s10  }
0x32: {  	s10 =	sld [smem:$0x3FB8];
	_ =	sdelay $0x3  }
0x33: {  	p0 =	seq.s32 s10, $0x1;
	s10 =	sld [smem:$0x3FBA];
	_ =	sdelay $0x3  }
0x34: {  	[smem:$0x3FBA] =	sst s10  }
0x35: {  	s10 =	sld [smem:$0x3FB9];
	_ =	sdelay $0x3  }
0x36: {  	p1 =	seq.s32 s10, $0x1;
	s10 =	sld [smem:$0x3FBA];
	_ =	sdelay $0x3  }
0x37: {  	[smem:$0x3FBA] =	sst s10  }
0x38: {  	s10 =	sld [smem:$0x3FBB]  }
0x39: {  	_ = 	snop;
	(pc) =	sbr.ind lr, $3  }
0x3a: {  	_ = 	snop  }
0x3b: {  	_ = 	snop  }
0x3c: {  	p2 =	seq.s32 s10, $0x1;
	s10 =	sld [smem:$0x3FBA]  }
0x3d: {  	_ =	shalt  }
0x3e: {  	_ =	shalt  }
0x3f: {  	_ =	shalt  }
0x40: {  	_ =	shalt  }
0x41: {  	_ =	shalt  }
0x42: {  	_ =	shalt  }
0x43: {  	_ =	shalt  }
0x44: {  	_ =	shalt  }
0x45: {  	_ =	shalt  }
0x46: {  	_ =	shalt  }
0x47: {  	_ =	shalt  }
0x48: {  	_ =	shalt  }
0x49: {  	_ =	shalt  }
0x4a: {  	_ =	shalt  }
0x4b: {  	_ =	shalt  }
0x4c: {  	_ =	shalt  }
0x4d: {  	_ =	shalt  }
0x4e: {  	_ =	shalt  }
0x4f: {  	_ =	shalt  }
0x50: {  	_ =	shalt  }
0x51: {  	_ =	shalt  }
0x52: {  	_ =	shalt  }
0x53: {  	_ =	shalt  }
0x54: {  	_ =	shalt  }
0x55: {  	_ =	shalt  }
0x56: {  	_ =	shalt  }
0x57: {  	_ =	shalt  }
0x58: {  	_ =	shalt  }
0x59: {  	_ =	shalt  }
0x5a: {  	_ =	shalt  }
0x5b: {  	_ =	shalt  }
0x5c: {  	_ =	shalt  }
0x5d: {  	_ =	shalt  }
0x5e: {  	_ =	shalt  }
0x5f: {  	_ =	shalt  }
0x60: {  	_ =	shalt  }
0x61: {  	_ =	shalt  }
0x62: {  	_ =	shalt  }
0x63: {  	_ =	shalt  }
0x64: {  	_ =	shalt  }
0x65: {  	_ =	shalt  }
0x66: {  	_ =	shalt  }
0x67: {  	_ =	shalt  }
0x68: {  	_ =	shalt  }
0x69: {  	_ =	shalt  }
0x6a: {  	_ =	shalt  }
0x6b: {  	_ =	shalt  }
0x6c: {  	_ =	shalt  }
0x6d: {  	_ =	shalt  }
0x6e: {  	_ =	shalt  }
0x6f: {  	_ =	shalt  }
0x70: {  	_ =	shalt  }
0x71: {  	_ =	shalt  }
0x72: {  	_ =	shalt  }
0x73: {  	_ =	shalt  }
0x74: {  	_ =	shalt  }
0x75: {  	_ =	shalt  }
0x76: {  	_ =	shalt  }
0x77: {  	_ =	shalt  }
0x78: {  	_ =	shalt  }
0x79: {  	_ =	shalt  }
0x7a: {  	_ =	shalt  }
0x7b: {  	_ =	shalt  }
0x7c: {  	_ =	shalt  }
0x7d: {  	_ =	shalt  }
0x7e: {  	_ =	shalt  }
0x7f: {  	_ =	shalt  }
0x80: {  	_ =	shalt  }
0x81: {  	_ =	shalt  }
0x82: {  	_ =	shalt  }
0x83: {  	_ =	shalt  }
0x84: {  	_ =	shalt  }
0x85: {  	_ =	shalt  }
0x86: {  	_ =	shalt  }
0x87: {  	_ =	shalt  }
.Lfunc_end0:
.L_simem_size_0:
called_computation_lowered:
.L_overlay_start_0:
0x88: {  	s2 =	sld [smem:$0x3FD9]  }
0x89: {  	s3 =	sld [smem:$0x3FFE];
	_ =	sdelay $0x1  }
0x8a: {  	s1 =	srdreg.scid  }
0x8b: {  	s0 =	sand.u32 $0x1, s1  }
0x8c: {  	s17 =	sshll.u32 s0, $0xA;
	s2 =	sadd.s32 s3, s2  }
0x8d: {  	s2 =	sadd.s32 s2, s17  }
0x8e: {  	[smem:$0x3FC6] =	sst s2  }
0x8f: {  	_ = 	snop  }
0x90: {  	s2 =	sld [smem:$0x3FC8]  }
0x91: {  	s18 =	sld [smem:$0x3FD0];
	(tm) =	ssettm $0x1  }
0x92: {  	s4 =	sld [smem:$0x3FFB];
	_ =	sdelay $0x3  }
0x93: {  	_ =	strace s4  }
0x94: {  	s4 =	sld [smem:$0x3FFC];
	_ =	sdelay $0x3  }
0x95: {  	_ =	strace s4  }
0x96: {  	s4 =	sld [smem:$0x3FFD];
	_ =	sdelay $0x3  }
0x97: {  	_ =	strace s4  }
0x98: {  	_ =	strace $0x8FFFFFFF  }
0x99: {  	s19 =	sld [smem:$0x3FDB];
	_ =	sdelay $0x1  }
0x9a: {  	s5 =	simm.s32 $_scs_section_size  }
0x9b: {  	s6 =	simm.s32 $_size__tile_overlayer_lowered;
	s7 =	simm.s32 $_tile_overlayer_lowered  }
0x9c: {  	s22 =	simm.s32 $0x1BFF;
	s21 =	sshll.u32 s7, $0x1;
	s4 =	sadd.s32 s5, s19  }
0x9d: {  	s8 =	simm.s32 $0x0;
	s20 =	sshll.u32 s6, $0x1;
	s6 =	sadd.s32 s21, s4  }
0x9e: {  	[timem:s8], [sflag:s22] =	dma.local [hbm:s6], s20  }
0x9f: {  	_ =	swait.ge [sflag:s22], s20  }
0xa0: {  	s5 =	ssub.s32 $0x0, s20;
	[sflag:s22] =	ssyncset.done $0x0  }
0xa1: {  	[sflag:s22] =	ssyncadd.s32 s5;
	_ =	sdelay $0x1  }
0xa2: {  	s23 =	simm.s32 $0x1B8B  }
0xa3: {  	_ =	swait.ge [sflag:s23], $0x1  }
0xa4: {  	[sflag:s23] =	ssyncset.done $0x0  }
0xa5: {  	s25 =	simm.s32 $0x1B8E;
	s24 =	sld [smem:$0x3FFE];
	[sflag:s23] =	ssyncadd.s32 $0xFFFFFFFF  }
0xa6: {  	s26 =	simm.s32 $execute0_lowered;
	[smem:$0x3FD2] =	sst s25  }
0xa7: {  	s6 =	sshll.u32 s26, $0x1;
	_ =	strace $0x80000046;
	[dreg:$0x1] =	wrdreg $0xFFFFFFFF  }
0xa8: {  	s28 =	simm.s32 $_size_execute0_lowered;
	s4 =	sadd.s32 s4, s6;
	[dreg:$0x0] =	wrdreg $0x0  }
0xa9: {  	s6 =	sshll.u32 s28, $0x1;
	[dreg:$0x2] =	wrdreg s4  }
0xaa: {  	[dreg:$0x3] =	wrdreg s6  }
0xab: {  	[dreg:$0x4] =	wrdreg $0xC0  }
0xac: {  	_ =	task [dreg:s8], $0x5FFFF  }
0xad: {  	[dreg:$0x1] =	wrdreg $0xFFFFFFFF  }
0xae: {  	[dreg:$0x0] =	wrdreg $0x60  }
0xaf: {  	[dreg:$0x2] =	wrdreg s24  }
0xb0: {  	[dreg:$0x3] =	wrdreg s2  }
0xb1: {  	[dreg:$0x4] =	wrdreg s18  }
0xb2: {  	[dreg:$0x5] =	wrdreg $0x9  }
0xb3: {  	_ =	task.clear_ibuf [dreg:s8], $0x6FFFF;
	_ =	strace $0x90000046  }
0xb4: {  	s29 =	simm.s32 $0x9;
	_ =	strace $0x80000048  }
0xb5: {  	_ =	swait.ge [sflag:s29], $0x1  }
0xb6: {  	[sflag:s29] =	ssyncadd.s32 $0xFFFFFFFF  }
0xb7: {  	_ =	strace $0x90000048  }
0xb8: {  	_ =	sfence  }
0xb9: {  	s30 =	sld [smem:$0x0];
	_ =	sdelay $0x2  }
0xba: {  	s31 =	sshll.u32 s1, $0xD;
	s1 =	sshrl.u32 s1, $0x2  }
0xbb: {  	s3 =	sand.u32 $0x4000, s31;
	s1 =	sadd.s32 s1, s30  }
0xbc: {  	s0 =	sor.u32 s3, s0;
	s1 =	sshll.u32 s1, $0x11  }
0xbd: {  	s0 =	sor.u32 s1, s0  }
0xbe: {  	s0 =	sadd.s32 $0x8F2B, s0  }
0xbf: {  	[sflag:s0] =	ssyncadd.remote.s32 $0x1  }
0xc0: {  	_ =	sfence.sel $0xFFFF  }
0xc1: {  	[dreg:$0x0] =	wrdreg $0xFFFFFFFF;
	(pc) =	sbr.abs _section_cstart, $3  }
0xc2: {  	[dreg:$0x1] =	wrdreg $0xFFFFFFFF  }
0xc3: {  	_ =	task.clear_ibuf [dreg:s8], $0x2FFFF;
	_ =	strace $0x9FFFFFFF  }
0xc4: {  	(tm) =	ssettm $0x7FFFFFFF  }
0xc5: {  	_ =	shalt  }
tec
execute0_lowered:
.L_overlay_start_1:
0x0: {  	(tag) =	ssettag $0x1  }
0x1: {  	s0 =	srdreg.scid;
	s17 =	stileid.u32  }
0x2: {  	s1 =	sand.u32 $0x1, s0;
	s18 =	sshll.u32 s17, $0x1  }
0x3: {  	s4 =	rddreg [dreg:$0x0];
	s2 =	sshrl.u32 s17, $0x2;
	s0 =	sor.u32 s1, s18  }
0x4: {  	s3 =	rddreg [dreg:$0x1];
	s2 =	smul.u32 $0x6800, s2;
	s5 =	sshll.u32 s0, $0x7  }
0x5: {  	s6 =	rddreg [dreg:$0x2];
	s0 =	sshll.u32 s0, $0xB;
	s5 =	sand.u32 $0x380, s5  }
0x6: {  	s22 =	sadd.s32 s6, s0;
	s5 =	sor.u32 s2, s5;
	s2 =	simm.s32 $0x0  }
0x7: {  	s0 =	sadd.s32 $0x10000, s22;
	[smem:$0x7FF] =	sst s2  }
0x8: {  	s19 =	sadd.s32 $0x20000, s22;
	_ =	strace $0x80000047;
	[dreg:$0x5] =	wrdreg s0  }
0x9: {  	s20 =	sadd.s32 $0x30000, s22;
	[dreg:$0x6] =	wrdreg s19  }
0xa: {  	s21 =	sadd.s32 $0x40000, s22;
	[dreg:$0x7] =	wrdreg s20  }
0xb: {  	s23 =	sadd.s32 $0x50000, s22;
	[dreg:$0x8] =	wrdreg s21  }
0xc: {  	s24 =	sadd.s32 $0x60000, s22;
	[dreg:$0x9] =	wrdreg s23  }
0xd: {  	s25 =	sadd.s32 $0x70000, s22;
	[dreg:$0xa] =	wrdreg s24  }
0xe: {  	s26 =	sadd.s32 $0x80000, s22;
	[dreg:$0xb] =	wrdreg s25  }
0xf: {  	s6 =	sadd.s32 $0xB0000, s22;
	[dreg:$0xc] =	wrdreg s26  }
0x10: {  	s7 =	sadd.s32 $0xC0000, s22;
	[dreg:$0xf] =	wrdreg s6  }
0x11: {  	s8 =	sadd.s32 $0xD0000, s22;
	[dreg:$0x10] =	wrdreg s7  }
0x12: {  	s9 =	sadd.s32 $0xE0000, s22;
	[dreg:$0x11] =	wrdreg s8  }
0x13: {  	s10 =	sadd.s32 $0xF0000, s22;
	[dreg:$0x12] =	wrdreg s9  }
0x14: {  	s31 =	simm.s32 $0x80;
	s11 =	sadd.s32 $0x100000, s22;
	[dreg:$0x13] =	wrdreg s10  }
0x15: {  	s30 =	simm.s32 $0x7;
	s12 =	sadd.s32 $0x110000, s22;
	[dreg:$0x14] =	wrdreg s11  }
0x16: {  	s28 =	simm.s32 $0x500;
	s13 =	sadd.s32 $0x120000, s22;
	[dreg:$0x15] =	wrdreg s12  }
0x17: {  	p0 =	por $0x0, $0x0;
	s14 =	sadd.s32 $0x130000, s22;
	[dreg:$0x16] =	wrdreg s13  }
0x18: {  	s1 =	ssub.s32 $0x2, s1;
	s15 =	sadd.s32 $0x140000, s22;
	[dreg:$0x17] =	wrdreg s14  }
0x19: {  	s16 =	sadd.s32 $0x150000, s22;
	s5 =	sshrl.u32 s5, $0x3;
	[dreg:$0x18] =	wrdreg s15  }
0x1a: {  	s18 =	sadd.s32 $0x160000, s22;
	s4 =	sadd.s32 s5, s4;
	[dreg:$0x19] =	wrdreg s16  }
0x1b: {  	s5 =	sadd.s32 $0xA0000, s22;
	[dreg:$0x1a] =	wrdreg s18;
	s19 =	sadd.s32 $0x170000, s22  }
0x1c: {  	s20 =	sshrl.u32 s1, $0x1;
	s21 =	sadd.s32 $0x180000, s22;
	s23 =	sadd.s32 $0x190000, s22  }
0x1d: {  	s25 =	simm.s32 $0x400;
	s10 =	simm.s32 $0x100;
	s6 =	simm.s32 $0xD00  }
0x1e: {  	s14 =	simm.s32 $0x8D00;
	s9 =	simm.s32 $0x1;
	s8 =	simm.s32 $0x4D00  }
0x1f: {  	s11 =	simm.s32 $0x10D00;
	s16 =	simm.s32 $0x2;
	s15 =	simm.s32 $0xCD00  }
0x20: {  	s7 =	simm.s32 $0x4;
	s13 =	simm.s32 $0x3;
	s12 =	simm.s32 $0x14D00  }
0x21: {  	s26 =	simm.s32 $0x600;
	[dreg:$0xe] =	wrdreg s5;
	s1 =	ssub.s32 s1, s20  }
0x22: {  	s18 =	simm.s32 $0xC00;
	[dreg:$0x1b] =	wrdreg s19;
	s24 =	smax.u32 s1, $0x1  }
0x23: {  	s4 =	sadd.s32 $0x400, s4;
	[dreg:$0x1c] =	wrdreg s21;
	p1 =	sne.s32 s24, $0x1  }
.Ltmp0:
0x24: {  	[dreg:$0x1d] =	wrdreg s23;
	s5 =	simm.s32 $0x5;
	(pc) =	sbr.rel @!p1 .LBB2_1-.Ltmp0, $4  }
0x25: {  	s23 =	simm.s32 $0x800;
	s21 =	simm.s32 $0x900;
	s20 =	simm.s32 $0xA00  }
0x26: {  	s19 =	simm.s32 $0xB00;
	[dreg:$0x4] =	wrdreg s4;
	s4 =	sadd.s32 $0x90000, s22  }
0x27: {  	s1 =	simm.s32 $0x200;
	[dreg:$0xd] =	wrdreg s4;
	s4 =	simm.s32 $0x6  }
0x28: {  	s29 =	sadd.s32 $0xFFFFFFFF, s24;
	s24 =	simm.s32 $0x700;
	s0 =	rddreg [dreg:$0x4]  }
0x29: {  	[tilespmem:s2], [sflag:$0x7] =	stream.strided.gather [hbm4b:s0+s31], $0xD00, s25, s31, $0x38;
	[tilespmem:$0x18D00] =	vst v63  }
0x2a: {  	_ =	swait.ge [sflag:s30], $0xD00  }
0x2b: {  	[sflag:s30] =	ssyncset.done $0x0  }
0x2c: {  	[sflag:s30] =	ssyncadd.s32 $0xFFFFF300  }
0x2d: {  	[tilespmem:s6], [sflag:$0x1] =	stream.indirect.gather [hbm4b:s3+s10], $0x80, s2, s10, $0xb8;
	[tilespmem:$0x18D00] =	vst v63  }
0x2e: {  	_ = 	snop  }
0x2f: {  	[tilespmem:s14], [sflag:$0x2] =	stream.indirect.gather [hbm4b:s3+s10], $0x80, s10, s10, $0xb8;
	[tilespmem:$0x18D00] =	vst v63  }
0x30: {  	_ =	swait.ge [sflag:s9], $0x8000  }
0x31: {  	[sflag:s9] =	ssyncset.done $0x0  }
0x32: {  	[sflag:s9] =	ssyncadd.s32 $0xFFFF8000  }
0x33: {  	[hbm4b:s22+s2] =	stream.linear.scatter [tilespmem:s6], [sflag:$0x4], $0x4000, $0x38;
	[tilespmem:$0x18D00] =	vst v63  }
0x34: {  	s17 =	rddreg [dreg:$0x5]  }
0x35: {  	[hbm4b:s17+s2] =	stream.linear.scatter [tilespmem:s8], [sflag:$0x4], $0x4000, $0x38;
	[tilespmem:$0x18D00] =	vst v63  }
0x36: {  	_ = 	snop  }
0x37: {  	[tilespmem:s11], [sflag:$0x3] =	stream.indirect.gather [hbm4b:s3+s10], $0x80, s1, s10, $0xb8;
	[tilespmem:$0x18D00] =	vst v63  }
0x38: {  	_ =	swait.ge [sflag:s16], $0x8000  }
0x39: {  	[sflag:s16] =	ssyncset.done $0x0  }
0x3a: {  	s0 =	rddreg [dreg:$0x6];
	[sflag:s16] =	ssyncadd.s32 $0xFFFF8000  }
0x3b: {  	[hbm4b:s0+s2] =	stream.linear.scatter [tilespmem:s14], [sflag:$0x5], $0x4000, $0x38;
	[tilespmem:$0x18D00] =	vst v63  }
0x3c: {  	s1 =	rddreg [dreg:$0x7]  }
0x3d: {  	[hbm4b:s1+s2] =	stream.linear.scatter [tilespmem:s15], [sflag:$0x5], $0x4000, $0x38;
	[tilespmem:$0x18D00] =	vst v63  }
0x3e: {  	_ =	swait.ge [sflag:s7], $0x4000  }
0x3f: {  	[sflag:s7] =	ssyncset.done $0x0  }
0x40: {  	[sflag:s7] =	ssyncadd.s32 $0xFFFFC000  }
0x41: {  	_ =	swait.ge [sflag:s7], $0x4000  }
0x42: {  	[sflag:s7] =	ssyncset.done $0x0  }
0x43: {  	s1 =	simm.s32 $0x300;
	[sflag:s7] =	ssyncadd.s32 $0xFFFFC000  }
0x44: {  	[tilespmem:s6], [sflag:$0x1] =	stream.indirect.gather [hbm4b:s3+s10], $0x80, s1, s10, $0xb8;
	[tilespmem:$0x18D00] =	vst v63  }
0x45: {  	_ =	swait.ge [sflag:s13], $0x8000  }
0x46: {  	[sflag:s13] =	ssyncset.done $0x0  }
0x47: {  	s0 =	rddreg [dreg:$0x8];
	[sflag:s13] =	ssyncadd.s32 $0xFFFF8000  }
0x48: {  	[hbm4b:s0+s2] =	stream.linear.scatter [tilespmem:s11], [sflag:$0x6], $0x4000, $0x38;
	[tilespmem:$0x18D00] =	vst v63  }
0x49: {  	s1 =	rddreg [dreg:$0x9]  }
0x4a: {  	[hbm4b:s1+s2] =	stream.linear.scatter [tilespmem:s12], [sflag:$0x6], $0x4000, $0x38;
	[tilespmem:$0x18D00] =	vst v63  }
0x4b: {  	_ =	swait.ge [sflag:s5], $0x4000  }
0x4c: {  	[sflag:s5] =	ssyncset.done $0x0  }
0x4d: {  	[sflag:s5] =	ssyncadd.s32 $0xFFFFC000  }
0x4e: {  	_ =	swait.ge [sflag:s5], $0x4000  }
0x4f: {  	[sflag:s5] =	ssyncset.done $0x0  }
0x50: {  	[sflag:s5] =	ssyncadd.s32 $0xFFFFC000  }
0x51: {  	[tilespmem:s14], [sflag:$0x2] =	stream.indirect.gather [hbm4b:s3+s10], $0x80, s25, s10, $0xb8;
	[tilespmem:$0x18D00] =	vst v63  }
0x52: {  	_ =	swait.ge [sflag:s9], $0x8000  }
0x53: {  	[sflag:s9] =	ssyncset.done $0x0  }
0x54: {  	s0 =	rddreg [dreg:$0xa];
	[sflag:s9] =	ssyncadd.s32 $0xFFFF8000  }
0x55: {  	[hbm4b:s0+s2] =	stream.linear.scatter [tilespmem:s6], [sflag:$0x4], $0x4000, $0x38;
	[tilespmem:$0x18D00] =	vst v63  }
0x56: {  	s1 =	rddreg [dreg:$0xb]  }
0x57: {  	[hbm4b:s1+s2] =	stream.linear.scatter [tilespmem:s8], [sflag:$0x4], $0x4000, $0x38;
	[tilespmem:$0x18D00] =	vst v63  }
0x58: {  	_ =	swait.ge [sflag:s4], $0x4000  }
0x59: {  	[sflag:s4] =	ssyncset.done $0x0  }
0x5a: {  	[sflag:s4] =	ssyncadd.s32 $0xFFFFC000  }
0x5b: {  	_ =	swait.ge [sflag:s4], $0x4000  }
0x5c: {  	[sflag:s4] =	ssyncset.done $0x0  }
0x5d: {  	[sflag:s4] =	ssyncadd.s32 $0xFFFFC000  }
0x5e: {  	[tilespmem:s11], [sflag:$0x3] =	stream.indirect.gather [hbm4b:s3+s10], $0x80, s28, s10, $0xb8;
	[tilespmem:$0x18D00] =	vst v63  }
0x5f: {  	_ =	swait.ge [sflag:s16], $0x8000  }
0x60: {  	[sflag:s16] =	ssyncset.done $0x0  }
0x61: {  	s0 =	rddreg [dreg:$0xc];
	[sflag:s16] =	ssyncadd.s32 $0xFFFF8000  }
0x62: {  	[hbm4b:s0+s2] =	stream.linear.scatter [tilespmem:s14], [sflag:$0x5], $0x4000, $0x38;
	[tilespmem:$0x18D00] =	vst v63  }
0x63: {  	s1 =	rddreg [dreg:$0xd]  }
0x64: {  	[hbm4b:s1+s2] =	stream.linear.scatter [tilespmem:s15], [sflag:$0x5], $0x4000, $0x38;
	[tilespmem:$0x18D00] =	vst v63  }
0x65: {  	_ =	swait.ge [sflag:s7], $0x4000  }
0x66: {  	[sflag:s7] =	ssyncset.done $0x0  }
0x67: {  	[sflag:s7] =	ssyncadd.s32 $0xFFFFC000  }
0x68: {  	_ =	swait.ge [sflag:s7], $0x4000  }
0x69: {  	[sflag:s7] =	ssyncset.done $0x0  }
0x6a: {  	[sflag:s7] =	ssyncadd.s32 $0xFFFFC000  }
0x6b: {  	[tilespmem:s6], [sflag:$0x1] =	stream.indirect.gather [hbm4b:s3+s10], $0x80, s26, s10, $0xb8;
	[tilespmem:$0x18D00] =	vst v63  }
0x6c: {  	_ =	swait.ge [sflag:s13], $0x8000  }
0x6d: {  	[sflag:s13] =	ssyncset.done $0x0  }
0x6e: {  	s0 =	rddreg [dreg:$0xe];
	[sflag:s13] =	ssyncadd.s32 $0xFFFF8000  }
0x6f: {  	[hbm4b:s0+s2] =	stream.linear.scatter [tilespmem:s11], [sflag:$0x6], $0x4000, $0x38;
	[tilespmem:$0x18D00] =	vst v63  }
0x70: {  	s1 =	rddreg [dreg:$0xf]  }
0x71: {  	[hbm4b:s1+s2] =	stream.linear.scatter [tilespmem:s12], [sflag:$0x6], $0x4000, $0x38;
	[tilespmem:$0x18D00] =	vst v63  }
0x72: {  	_ =	swait.ge [sflag:s5], $0x4000  }
0x73: {  	[sflag:s5] =	ssyncset.done $0x0  }
0x74: {  	[sflag:s5] =	ssyncadd.s32 $0xFFFFC000  }
0x75: {  	_ =	swait.ge [sflag:s5], $0x4000  }
0x76: {  	[sflag:s5] =	ssyncset.done $0x0  }
0x77: {  	[sflag:s5] =	ssyncadd.s32 $0xFFFFC000  }
0x78: {  	[tilespmem:s14], [sflag:$0x2] =	stream.indirect.gather [hbm4b:s3+s10], $0x80, s24, s10, $0xb8;
	[tilespmem:$0x18D00] =	vst v63  }
0x79: {  	_ =	swait.ge [sflag:s9], $0x8000  }
0x7a: {  	[sflag:s9] =	ssyncset.done $0x0  }
0x7b: {  	s0 =	rddreg [dreg:$0x10];
	[sflag:s9] =	ssyncadd.s32 $0xFFFF8000  }
0x7c: {  	[hbm4b:s0+s2] =	stream.linear.scatter [tilespmem:s6], [sflag:$0x4], $0x4000, $0x38;
	[tilespmem:$0x18D00] =	vst v63  }
0x7d: {  	s1 =	rddreg [dreg:$0x11]  }
0x7e: {  	[hbm4b:s1+s2] =	stream.linear.scatter [tilespmem:s8], [sflag:$0x4], $0x4000, $0x38;
	[tilespmem:$0x18D00] =	vst v63  }
0x7f: {  	_ =	swait.ge [sflag:s4], $0x4000  }
0x80: {  	[sflag:s4] =	ssyncset.done $0x0  }
0x81: {  	[sflag:s4] =	ssyncadd.s32 $0xFFFFC000  }
0x82: {  	_ =	swait.ge [sflag:s4], $0x4000  }
0x83: {  	[sflag:s4] =	ssyncset.done $0x0  }
0x84: {  	[sflag:s4] =	ssyncadd.s32 $0xFFFFC000  }
0x85: {  	[tilespmem:s11], [sflag:$0x3] =	stream.indirect.gather [hbm4b:s3+s10], $0x80, s23, s10, $0xb8;
	[tilespmem:$0x18D00] =	vst v63  }
0x86: {  	_ =	swait.ge [sflag:s16], $0x8000  }
0x87: {  	[sflag:s16] =	ssyncset.done $0x0  }
0x88: {  	s0 =	rddreg [dreg:$0x12];
	[sflag:s16] =	ssyncadd.s32 $0xFFFF8000  }
0x89: {  	[hbm4b:s0+s2] =	stream.linear.scatter [tilespmem:s14], [sflag:$0x5], $0x4000, $0x38;
	[tilespmem:$0x18D00] =	vst v63  }
0x8a: {  	s1 =	rddreg [dreg:$0x13]  }
0x8b: {  	[hbm4b:s1+s2] =	stream.linear.scatter [tilespmem:s15], [sflag:$0x5], $0x4000, $0x38;
	[tilespmem:$0x18D00] =	vst v63  }
0x8c: {  	_ =	swait.ge [sflag:s7], $0x4000  }
0x8d: {  	[sflag:s7] =	ssyncset.done $0x0  }
0x8e: {  	[sflag:s7] =	ssyncadd.s32 $0xFFFFC000  }
0x8f: {  	_ =	swait.ge [sflag:s7], $0x4000  }
0x90: {  	[sflag:s7] =	ssyncset.done $0x0  }
0x91: {  	[sflag:s7] =	ssyncadd.s32 $0xFFFFC000  }
0x92: {  	[tilespmem:s6], [sflag:$0x1] =	stream.indirect.gather [hbm4b:s3+s10], $0x80, s21, s10, $0xb8;
	[tilespmem:$0x18D00] =	vst v63  }
0x93: {  	_ =	swait.ge [sflag:s13], $0x8000  }
0x94: {  	[sflag:s13] =	ssyncset.done $0x0  }
0x95: {  	s0 =	rddreg [dreg:$0x14];
	[sflag:s13] =	ssyncadd.s32 $0xFFFF8000  }
0x96: {  	[hbm4b:s0+s2] =	stream.linear.scatter [tilespmem:s11], [sflag:$0x6], $0x4000, $0x38;
	[tilespmem:$0x18D00] =	vst v63  }
0x97: {  	s1 =	rddreg [dreg:$0x15]  }
0x98: {  	[hbm4b:s1+s2] =	stream.linear.scatter [tilespmem:s12], [sflag:$0x6], $0x4000, $0x38;
	[tilespmem:$0x18D00] =	vst v63  }
0x99: {  	_ =	swait.ge [sflag:s5], $0x4000  }
0x9a: {  	[sflag:s5] =	ssyncset.done $0x0  }
0x9b: {  	[sflag:s5] =	ssyncadd.s32 $0xFFFFC000  }
0x9c: {  	_ =	swait.ge [sflag:s5], $0x4000  }
0x9d: {  	[sflag:s5] =	ssyncset.done $0x0  }
0x9e: {  	[sflag:s5] =	ssyncadd.s32 $0xFFFFC000  }
0x9f: {  	[tilespmem:s14], [sflag:$0x2] =	stream.indirect.gather [hbm4b:s3+s10], $0x80, s20, s10, $0xb8;
	[tilespmem:$0x18D00] =	vst v63  }
0xa0: {  	_ =	swait.ge [sflag:s9], $0x8000  }
0xa1: {  	[sflag:s9] =	ssyncset.done $0x0  }
0xa2: {  	s0 =	rddreg [dreg:$0x16];
	[sflag:s9] =	ssyncadd.s32 $0xFFFF8000  }
0xa3: {  	[hbm4b:s0+s2] =	stream.linear.scatter [tilespmem:s6], [sflag:$0x4], $0x4000, $0x38;
	[tilespmem:$0x18D00] =	vst v63  }
0xa4: {  	s1 =	rddreg [dreg:$0x17]  }
0xa5: {  	[hbm4b:s1+s2] =	stream.linear.scatter [tilespmem:s8], [sflag:$0x4], $0x4000, $0x38;
	[tilespmem:$0x18D00] =	vst v63  }
0xa6: {  	_ =	swait.ge [sflag:s4], $0x4000  }
0xa7: {  	[sflag:s4] =	ssyncset.done $0x0  }
0xa8: {  	[sflag:s4] =	ssyncadd.s32 $0xFFFFC000  }
0xa9: {  	_ =	swait.ge [sflag:s4], $0x4000  }
0xaa: {  	[sflag:s4] =	ssyncset.done $0x0  }
0xab: {  	[sflag:s4] =	ssyncadd.s32 $0xFFFFC000  }
0xac: {  	[tilespmem:s11], [sflag:$0x3] =	stream.indirect.gather [hbm4b:s3+s10], $0x80, s19, s10, $0xb8;
	[tilespmem:$0x18D00] =	vst v63  }
0xad: {  	_ =	swait.ge [sflag:s16], $0x8000  }
0xae: {  	[sflag:s16] =	ssyncset.done $0x0  }
0xaf: {  	s0 =	rddreg [dreg:$0x18];
	[sflag:s16] =	ssyncadd.s32 $0xFFFF8000  }
0xb0: {  	[hbm4b:s0+s2] =	stream.linear.scatter [tilespmem:s14], [sflag:$0x5], $0x4000, $0x38;
	[tilespmem:$0x18D00] =	vst v63  }
0xb1: {  	s1 =	rddreg [dreg:$0x19]  }
0xb2: {  	[hbm4b:s1+s2] =	stream.linear.scatter [tilespmem:s15], [sflag:$0x5], $0x4000, $0x38;
	[tilespmem:$0x18D00] =	vst v63  }
0xb3: {  	_ =	swait.ge [sflag:s7], $0x4000  }
0xb4: {  	[sflag:s7] =	ssyncset.done $0x0  }
0xb5: {  	[sflag:s7] =	ssyncadd.s32 $0xFFFFC000  }
0xb6: {  	_ =	swait.ge [sflag:s7], $0x4000  }
0xb7: {  	[sflag:s7] =	ssyncset.done $0x0  }
0xb8: {  	[sflag:s7] =	ssyncadd.s32 $0xFFFFC000  }
0xb9: {  	[tilespmem:s6], [sflag:$0x1] =	stream.indirect.gather [hbm4b:s3+s10], $0x80, s18, s10, $0xb8;
	[tilespmem:$0x18D00] =	vst v63  }
0xba: {  	_ =	swait.ge [sflag:s13], $0x8000  }
0xbb: {  	[sflag:s13] =	ssyncset.done $0x0  }
0xbc: {  	s0 =	rddreg [dreg:$0x1a];
	[sflag:s13] =	ssyncadd.s32 $0xFFFF8000  }
0xbd: {  	[hbm4b:s0+s2] =	stream.linear.scatter [tilespmem:s11], [sflag:$0x6], $0x4000, $0x38;
	[tilespmem:$0x18D00] =	vst v63  }
0xbe: {  	s1 =	rddreg [dreg:$0x1b]  }
0xbf: {  	[hbm4b:s1+s2] =	stream.linear.scatter [tilespmem:s12], [sflag:$0x6], $0x4000, $0x38;
	[tilespmem:$0x18D00] =	vst v63  }
0xc0: {  	_ =	swait.ge [sflag:s9], $0x8000  }
0xc1: {  	[sflag:s9] =	ssyncset.done $0x0  }
0xc2: {  	s0 =	rddreg [dreg:$0x1c];
	[sflag:s9] =	ssyncadd.s32 $0xFFFF8000  }
0xc3: {  	[hbm4b:s0+s2] =	stream.linear.scatter [tilespmem:s6], [sflag:$0x4], $0x4000, $0x38;
	[tilespmem:$0x18D00] =	vst v63  }
0xc4: {  	s1 =	rddreg [dreg:$0x1d]  }
0xc5: {  	[hbm4b:s1+s2] =	stream.linear.scatter [tilespmem:s8], [sflag:$0x4], $0x4000, $0x38;
	[tilespmem:$0x18D00] =	vst v63  }
0xc6: {  	_ =	swait.ge [sflag:s7], $0x4000  }
0xc7: {  	[sflag:s7] =	ssyncset.done $0x0  }
0xc8: {  	[sflag:s7] =	ssyncadd.s32 $0xFFFFC000  }
0xc9: {  	_ =	swait.ge [sflag:s7], $0x4000  }
0xca: {  	[sflag:s7] =	ssyncset.done $0x0  }
0xcb: {  	[sflag:s7] =	ssyncadd.s32 $0xFFFFC000  }
0xcc: {  	_ =	swait.ge [sflag:s5], $0x4000  }
0xcd: {  	[sflag:s5] =	ssyncset.done $0x0  }
0xce: {  	[sflag:s5] =	ssyncadd.s32 $0xFFFFC000  }
0xcf: {  	_ =	swait.ge [sflag:s5], $0x4000  }
0xd0: {  	s17 =	smov.u32 s29;
	[sflag:s5] =	ssyncset.done $0x0  }
0xd1: {  	p1 =	sne.s32 s17, $0x1;
	[sflag:s5] =	ssyncadd.s32 $0xFFFFC000  }
.Ltmp1:
0xd2: {  	_ =	swait.ge [sflag:s4], $0x4000;
	(pc) =	sbr.rel @!p1 .LBB2_3-.Ltmp1, $4  }
0xd3: {  	[sflag:s4] =	ssyncset.done $0x0  }
0xd4: {  	s31 =	simm.s32 $0x200;
	[sflag:s4] =	ssyncadd.s32 $0xFFFFC000  }
0xd5: {  	p0 =	por $0x1, $0x1;
	s29 =	simm.s32 $0x80;
	_ =	swait.ge [sflag:s4], $0x4000  }
0xd6: {  	s1 =	sadd.s32 $0xFFFFFFFF, s17;
	s0 =	rddreg [dreg:$0x4];
	[sflag:s4] =	ssyncset.done $0x0  }
.LBB2_4:
0xd7: {  	[sflag:s4] =	ssyncadd.s32 $0xFFFFC000  }
0xd8: {  	[tilespmem:s2], [sflag:$0x7] =	stream.strided.gather [hbm4b:s0+s29], $0xD00, s25, s29, $0x38;
	[tilespmem:$0x18D00] =	vst v63  }
0xd9: {  	_ =	swait.ge [sflag:s30], $0xD00  }
0xda: {  	[sflag:s30] =	ssyncset.done $0x0  }
0xdb: {  	[sflag:s30] =	ssyncadd.s32 $0xFFFFF300  }
0xdc: {  	[tilespmem:s6], [sflag:$0x1] =	stream.indirect.gather [hbm4b:s3+s10], $0x80, s2, s10, $0xb8;
	[tilespmem:$0x18D00] =	vst v63  }
0xdd: {  	_ = 	snop  }
0xde: {  	[tilespmem:s14], [sflag:$0x2] =	stream.indirect.gather [hbm4b:s3+s10], $0x80, s10, s10, $0xb8;
	[tilespmem:$0x18D00] =	vst v63  }
0xdf: {  	_ =	swait.ge [sflag:s9], $0x8000  }
0xe0: {  	[sflag:s9] =	ssyncset.done $0x0  }
0xe1: {  	[sflag:s9] =	ssyncadd.s32 $0xFFFF8000  }
0xe2: {  	[hbm4b:s22+s2] =	stream.linear.scatter [tilespmem:s6], [sflag:$0x4], $0x4000, $0x38;
	[tilespmem:$0x18D00] =	vst v63  }
0xe3: {  	s17 =	rddreg [dreg:$0x5]  }
0xe4: {  	[hbm4b:s17+s2] =	stream.linear.scatter [tilespmem:s8], [sflag:$0x4], $0x4000, $0x38;
	[tilespmem:$0x18D00] =	vst v63  }
0xe5: {  	_ = 	snop  }
0xe6: {  	[tilespmem:s11], [sflag:$0x3] =	stream.indirect.gather [hbm4b:s3+s10], $0x80, s31, s10, $0xb8;
	[tilespmem:$0x18D00] =	vst v63  }
0xe7: {  	_ =	swait.ge [sflag:s16], $0x8000  }
0xe8: {  	[sflag:s16] =	ssyncset.done $0x0  }
0xe9: {  	s0 =	rddreg [dreg:$0x6];
	[sflag:s16] =	ssyncadd.s32 $0xFFFF8000  }
0xea: {  	[hbm4b:s0+s2] =	stream.linear.scatter [tilespmem:s14], [sflag:$0x5], $0x4000, $0x38;
	[tilespmem:$0x18D00] =	vst v63  }
0xeb: {  	s17 =	rddreg [dreg:$0x7]  }
0xec: {  	[hbm4b:s17+s2] =	stream.linear.scatter [tilespmem:s15], [sflag:$0x5], $0x4000, $0x38;
	[tilespmem:$0x18D00] =	vst v63  }
0xed: {  	_ =	swait.ge [sflag:s7], $0x4000  }
0xee: {  	[sflag:s7] =	ssyncset.done $0x0  }
0xef: {  	[sflag:s7] =	ssyncadd.s32 $0xFFFFC000  }
0xf0: {  	_ =	swait.ge [sflag:s7], $0x4000  }
0xf1: {  	[sflag:s7] =	ssyncset.done $0x0  }
0xf2: {  	s17 =	simm.s32 $0x300;
	[sflag:s7] =	ssyncadd.s32 $0xFFFFC000  }
0xf3: {  	[tilespmem:s6], [sflag:$0x1] =	stream.indirect.gather [hbm4b:s3+s10], $0x80, s17, s10, $0xb8;
	[tilespmem:$0x18D00] =	vst v63  }
0xf4: {  	_ =	swait.ge [sflag:s13], $0x8000  }
0xf5: {  	[sflag:s13] =	ssyncset.done $0x0  }
0xf6: {  	s0 =	rddreg [dreg:$0x8];
	[sflag:s13] =	ssyncadd.s32 $0xFFFF8000  }
0xf7: {  	[hbm4b:s0+s2] =	stream.linear.scatter [tilespmem:s11], [sflag:$0x6], $0x4000, $0x38;
	[tilespmem:$0x18D00] =	vst v63  }
0xf8: {  	s17 =	rddreg [dreg:$0x9]  }
0xf9: {  	[hbm4b:s17+s2] =	stream.linear.scatter [tilespmem:s12], [sflag:$0x6], $0x4000, $0x38;
	[tilespmem:$0x18D00] =	vst v63  }
0xfa: {  	_ =	swait.ge [sflag:s5], $0x4000  }
0xfb: {  	[sflag:s5] =	ssyncset.done $0x0  }
0xfc: {  	[sflag:s5] =	ssyncadd.s32 $0xFFFFC000  }
0xfd: {  	_ =	swait.ge [sflag:s5], $0x4000  }
0xfe: {  	[sflag:s5] =	ssyncset.done $0x0  }
0xff: {  	[sflag:s5] =	ssyncadd.s32 $0xFFFFC000  }
0x100: {  	[tilespmem:s14], [sflag:$0x2] =	stream.indirect.gather [hbm4b:s3+s10], $0x80, s25, s10, $0xb8;
	[tilespmem:$0x18D00] =	vst v63  }
0x101: {  	_ =	swait.ge [sflag:s9], $0x8000  }
0x102: {  	[sflag:s9] =	ssyncset.done $0x0  }
0x103: {  	s0 =	rddreg [dreg:$0xa];
	[sflag:s9] =	ssyncadd.s32 $0xFFFF8000  }
0x104: {  	[hbm4b:s0+s2] =	stream.linear.scatter [tilespmem:s6], [sflag:$0x4], $0x4000, $0x38;
	[tilespmem:$0x18D00] =	vst v63  }
0x105: {  	s17 =	rddreg [dreg:$0xb]  }
0x106: {  	[hbm4b:s17+s2] =	stream.linear.scatter [tilespmem:s8], [sflag:$0x4], $0x4000, $0x38;
	[tilespmem:$0x18D00] =	vst v63  }
0x107: {  	_ =	swait.ge [sflag:s4], $0x4000  }
0x108: {  	[sflag:s4] =	ssyncset.done $0x0  }
0x109: {  	[sflag:s4] =	ssyncadd.s32 $0xFFFFC000  }
0x10a: {  	_ =	swait.ge [sflag:s4], $0x4000  }
0x10b: {  	[sflag:s4] =	ssyncset.done $0x0  }
0x10c: {  	[sflag:s4] =	ssyncadd.s32 $0xFFFFC000  }
0x10d: {  	[tilespmem:s11], [sflag:$0x3] =	stream.indirect.gather [hbm4b:s3+s10], $0x80, s28, s10, $0xb8;
	[tilespmem:$0x18D00] =	vst v63  }
0x10e: {  	_ =	swait.ge [sflag:s16], $0x8000  }
0x10f: {  	[sflag:s16] =	ssyncset.done $0x0  }
0x110: {  	s0 =	rddreg [dreg:$0xc];
	[sflag:s16] =	ssyncadd.s32 $0xFFFF8000  }
0x111: {  	[hbm4b:s0+s2] =	stream.linear.scatter [tilespmem:s14], [sflag:$0x5], $0x4000, $0x38;
	[tilespmem:$0x18D00] =	vst v63  }
0x112: {  	s17 =	rddreg [dreg:$0xd]  }
0x113: {  	[hbm4b:s17+s2] =	stream.linear.scatter [tilespmem:s15], [sflag:$0x5], $0x4000, $0x38;
	[tilespmem:$0x18D00] =	vst v63  }
0x114: {  	_ =	swait.ge [sflag:s7], $0x4000  }
0x115: {  	[sflag:s7] =	ssyncset.done $0x0  }
0x116: {  	[sflag:s7] =	ssyncadd.s32 $0xFFFFC000  }
0x117: {  	_ =	swait.ge [sflag:s7], $0x4000  }
0x118: {  	[sflag:s7] =	ssyncset.done $0x0  }
0x119: {  	[sflag:s7] =	ssyncadd.s32 $0xFFFFC000  }
0x11a: {  	[tilespmem:s6], [sflag:$0x1] =	stream.indirect.gather [hbm4b:s3+s10], $0x80, s26, s10, $0xb8;
	[tilespmem:$0x18D00] =	vst v63  }
0x11b: {  	_ =	swait.ge [sflag:s13], $0x8000  }
0x11c: {  	[sflag:s13] =	ssyncset.done $0x0  }
0x11d: {  	s0 =	rddreg [dreg:$0xe];
	[sflag:s13] =	ssyncadd.s32 $0xFFFF8000  }
0x11e: {  	[hbm4b:s0+s2] =	stream.linear.scatter [tilespmem:s11], [sflag:$0x6], $0x4000, $0x38;
	[tilespmem:$0x18D00] =	vst v63  }
0x11f: {  	s17 =	rddreg [dreg:$0xf]  }
0x120: {  	[hbm4b:s17+s2] =	stream.linear.scatter [tilespmem:s12], [sflag:$0x6], $0x4000, $0x38;
	[tilespmem:$0x18D00] =	vst v63  }
0x121: {  	_ =	swait.ge [sflag:s5], $0x4000  }
0x122: {  	[sflag:s5] =	ssyncset.done $0x0  }
0x123: {  	[sflag:s5] =	ssyncadd.s32 $0xFFFFC000  }
0x124: {  	_ =	swait.ge [sflag:s5], $0x4000  }
0x125: {  	[sflag:s5] =	ssyncset.done $0x0  }
0x126: {  	[sflag:s5] =	ssyncadd.s32 $0xFFFFC000  }
0x127: {  	[tilespmem:s14], [sflag:$0x2] =	stream.indirect.gather [hbm4b:s3+s10], $0x80, s24, s10, $0xb8;
	[tilespmem:$0x18D00] =	vst v63  }
0x128: {  	_ =	swait.ge [sflag:s9], $0x8000  }
0x129: {  	[sflag:s9] =	ssyncset.done $0x0  }
0x12a: {  	s0 =	rddreg [dreg:$0x10];
	[sflag:s9] =	ssyncadd.s32 $0xFFFF8000  }
0x12b: {  	[hbm4b:s0+s2] =	stream.linear.scatter [tilespmem:s6], [sflag:$0x4], $0x4000, $0x38;
	[tilespmem:$0x18D00] =	vst v63  }
0x12c: {  	s17 =	rddreg [dreg:$0x11]  }
0x12d: {  	[hbm4b:s17+s2] =	stream.linear.scatter [tilespmem:s8], [sflag:$0x4], $0x4000, $0x38;
	[tilespmem:$0x18D00] =	vst v63  }
0x12e: {  	_ =	swait.ge [sflag:s4], $0x4000  }
0x12f: {  	[sflag:s4] =	ssyncset.done $0x0  }
0x130: {  	[sflag:s4] =	ssyncadd.s32 $0xFFFFC000  }
0x131: {  	_ =	swait.ge [sflag:s4], $0x4000  }
0x132: {  	[sflag:s4] =	ssyncset.done $0x0  }
0x133: {  	[sflag:s4] =	ssyncadd.s32 $0xFFFFC000  }
0x134: {  	[tilespmem:s11], [sflag:$0x3] =	stream.indirect.gather [hbm4b:s3+s10], $0x80, s23, s10, $0xb8;
	[tilespmem:$0x18D00] =	vst v63  }
0x135: {  	_ =	swait.ge [sflag:s16], $0x8000  }
0x136: {  	[sflag:s16] =	ssyncset.done $0x0  }
0x137: {  	s0 =	rddreg [dreg:$0x12];
	[sflag:s16] =	ssyncadd.s32 $0xFFFF8000  }
0x138: {  	[hbm4b:s0+s2] =	stream.linear.scatter [tilespmem:s14], [sflag:$0x5], $0x4000, $0x38;
	[tilespmem:$0x18D00] =	vst v63  }
0x139: {  	s17 =	rddreg [dreg:$0x13]  }
0x13a: {  	[hbm4b:s17+s2] =	stream.linear.scatter [tilespmem:s15], [sflag:$0x5], $0x4000, $0x38;
	[tilespmem:$0x18D00] =	vst v63  }
0x13b: {  	_ =	swait.ge [sflag:s7], $0x4000  }
0x13c: {  	[sflag:s7] =	ssyncset.done $0x0  }
0x13d: {  	[sflag:s7] =	ssyncadd.s32 $0xFFFFC000  }
0x13e: {  	_ =	swait.ge [sflag:s7], $0x4000  }
0x13f: {  	[sflag:s7] =	ssyncset.done $0x0  }
0x140: {  	[sflag:s7] =	ssyncadd.s32 $0xFFFFC000  }
0x141: {  	[tilespmem:s6], [sflag:$0x1] =	stream.indirect.gather [hbm4b:s3+s10], $0x80, s21, s10, $0xb8;
	[tilespmem:$0x18D00] =	vst v63  }
0x142: {  	_ =	swait.ge [sflag:s13], $0x8000  }
0x143: {  	[sflag:s13] =	ssyncset.done $0x0  }
0x144: {  	s0 =	rddreg [dreg:$0x14];
	[sflag:s13] =	ssyncadd.s32 $0xFFFF8000  }
0x145: {  	[hbm4b:s0+s2] =	stream.linear.scatter [tilespmem:s11], [sflag:$0x6], $0x4000, $0x38;
	[tilespmem:$0x18D00] =	vst v63  }
0x146: {  	s17 =	rddreg [dreg:$0x15]  }
0x147: {  	[hbm4b:s17+s2] =	stream.linear.scatter [tilespmem:s12], [sflag:$0x6], $0x4000, $0x38;
	[tilespmem:$0x18D00] =	vst v63  }
0x148: {  	_ =	swait.ge [sflag:s5], $0x4000  }
0x149: {  	[sflag:s5] =	ssyncset.done $0x0  }
0x14a: {  	[sflag:s5] =	ssyncadd.s32 $0xFFFFC000  }
0x14b: {  	_ =	swait.ge [sflag:s5], $0x4000  }
0x14c: {  	[sflag:s5] =	ssyncset.done $0x0  }
0x14d: {  	[sflag:s5] =	ssyncadd.s32 $0xFFFFC000  }
0x14e: {  	[tilespmem:s14], [sflag:$0x2] =	stream.indirect.gather [hbm4b:s3+s10], $0x80, s20, s10, $0xb8;
	[tilespmem:$0x18D00] =	vst v63  }
0x14f: {  	_ =	swait.ge [sflag:s9], $0x8000  }
0x150: {  	[sflag:s9] =	ssyncset.done $0x0  }
0x151: {  	s0 =	rddreg [dreg:$0x16];
	[sflag:s9] =	ssyncadd.s32 $0xFFFF8000  }
0x152: {  	[hbm4b:s0+s2] =	stream.linear.scatter [tilespmem:s6], [sflag:$0x4], $0x4000, $0x38;
	[tilespmem:$0x18D00] =	vst v63  }
0x153: {  	s17 =	rddreg [dreg:$0x17]  }
0x154: {  	[hbm4b:s17+s2] =	stream.linear.scatter [tilespmem:s8], [sflag:$0x4], $0x4000, $0x38;
	[tilespmem:$0x18D00] =	vst v63  }
0x155: {  	_ =	swait.ge [sflag:s4], $0x4000  }
0x156: {  	[sflag:s4] =	ssyncset.done $0x0  }
0x157: {  	[sflag:s4] =	ssyncadd.s32 $0xFFFFC000  }
0x158: {  	_ =	swait.ge [sflag:s4], $0x4000  }
0x159: {  	[sflag:s4] =	ssyncset.done $0x0  }
0x15a: {  	[sflag:s4] =	ssyncadd.s32 $0xFFFFC000  }
0x15b: {  	[tilespmem:s11], [sflag:$0x3] =	stream.indirect.gather [hbm4b:s3+s10], $0x80, s19, s10, $0xb8;
	[tilespmem:$0x18D00] =	vst v63  }
0x15c: {  	_ =	swait.ge [sflag:s16], $0x8000  }
0x15d: {  	[sflag:s16] =	ssyncset.done $0x0  }
0x15e: {  	s0 =	rddreg [dreg:$0x18];
	[sflag:s16] =	ssyncadd.s32 $0xFFFF8000  }
0x15f: {  	[hbm4b:s0+s2] =	stream.linear.scatter [tilespmem:s14], [sflag:$0x5], $0x4000, $0x38;
	[tilespmem:$0x18D00] =	vst v63  }
0x160: {  	s17 =	rddreg [dreg:$0x19]  }
0x161: {  	[hbm4b:s17+s2] =	stream.linear.scatter [tilespmem:s15], [sflag:$0x5], $0x4000, $0x38;
	[tilespmem:$0x18D00] =	vst v63  }
0x162: {  	_ =	swait.ge [sflag:s7], $0x4000  }
0x163: {  	[sflag:s7] =	ssyncset.done $0x0  }
0x164: {  	[sflag:s7] =	ssyncadd.s32 $0xFFFFC000  }
0x165: {  	_ =	swait.ge [sflag:s7], $0x4000  }
0x166: {  	[sflag:s7] =	ssyncset.done $0x0  }
0x167: {  	[sflag:s7] =	ssyncadd.s32 $0xFFFFC000  }
0x168: {  	[tilespmem:s6], [sflag:$0x1] =	stream.indirect.gather [hbm4b:s3+s10], $0x80, s18, s10, $0xb8;
	[tilespmem:$0x18D00] =	vst v63  }
0x169: {  	_ =	swait.ge [sflag:s13], $0x8000  }
0x16a: {  	[sflag:s13] =	ssyncset.done $0x0  }
0x16b: {  	s0 =	rddreg [dreg:$0x1a];
	[sflag:s13] =	ssyncadd.s32 $0xFFFF8000  }
0x16c: {  	[hbm4b:s0+s2] =	stream.linear.scatter [tilespmem:s11], [sflag:$0x6], $0x4000, $0x38;
	[tilespmem:$0x18D00] =	vst v63  }
0x16d: {  	s17 =	rddreg [dreg:$0x1b]  }
0x16e: {  	[hbm4b:s17+s2] =	stream.linear.scatter [tilespmem:s12], [sflag:$0x6], $0x4000, $0x38;
	[tilespmem:$0x18D00] =	vst v63  }
0x16f: {  	_ =	swait.ge [sflag:s9], $0x8000  }
0x170: {  	[sflag:s9] =	ssyncset.done $0x0  }
0x171: {  	s0 =	rddreg [dreg:$0x1c];
	[sflag:s9] =	ssyncadd.s32 $0xFFFF8000  }
0x172: {  	[hbm4b:s0+s2] =	stream.linear.scatter [tilespmem:s6], [sflag:$0x4], $0x4000, $0x38;
	[tilespmem:$0x18D00] =	vst v63  }
0x173: {  	s17 =	rddreg [dreg:$0x1d]  }
0x174: {  	[hbm4b:s17+s2] =	stream.linear.scatter [tilespmem:s8], [sflag:$0x4], $0x4000, $0x38;
	[tilespmem:$0x18D00] =	vst v63  }
0x175: {  	_ =	swait.ge [sflag:s7], $0x4000  }
0x176: {  	[sflag:s7] =	ssyncset.done $0x0  }
0x177: {  	[sflag:s7] =	ssyncadd.s32 $0xFFFFC000  }
0x178: {  	_ =	swait.ge [sflag:s7], $0x4000  }
0x179: {  	[sflag:s7] =	ssyncset.done $0x0  }
0x17a: {  	[sflag:s7] =	ssyncadd.s32 $0xFFFFC000  }
0x17b: {  	_ =	swait.ge [sflag:s5], $0x4000  }
0x17c: {  	[sflag:s5] =	ssyncset.done $0x0  }
0x17d: {  	[sflag:s5] =	ssyncadd.s32 $0xFFFFC000  }
0x17e: {  	_ =	swait.ge [sflag:s5], $0x4000  }
0x17f: {  	[sflag:s5] =	ssyncset.done $0x0  }
0x180: {  	p1 =	sne.s32 s1, $0x1;
	[sflag:s5] =	ssyncadd.s32 $0xFFFFC000  }
.Ltmp2:
0x181: {  	_ =	swait.ge [sflag:s4], $0x4000;
	(pc) =	sbr.rel @p1 .LBB2_4-.Ltmp2, $4  }
0x182: {  	[sflag:s4] =	ssyncset.done $0x0  }
0x183: {  	[sflag:s4] =	ssyncadd.s32 $0xFFFFC000  }
0x184: {  	_ =	swait.ge [sflag:s4], $0x4000  }
0x185: {  	s1 =	sadd.s32 $0xFFFFFFFF, s1;
	s0 =	rddreg [dreg:$0x4];
	[sflag:s4] =	ssyncset.done $0x0  }
0x186: {  	s29 =	simm.s32 $0x300;
	s28 =	simm.s32 $0x500;
	s26 =	simm.s32 $0x600  }
0x187: {  	s24 =	simm.s32 $0x700;
	s23 =	simm.s32 $0x800;
	s21 =	simm.s32 $0x900  }
0x188: {  	s20 =	simm.s32 $0xA00;
	s19 =	simm.s32 $0xB00;
	s18 =	simm.s32 $0xC00  }
0x189: {  	s17 =	stileid.u32;
	s1 =	simm.s32 $0x200;
	s31 =	simm.s32 $0x80  }
.LBB2_6:
0x18a: {  	[sflag:s4] =	ssyncadd.s32 @p0 $0xFFFFC000  }
0x18b: {  	[tilespmem:s2], [sflag:$0x7] =	stream.strided.gather [hbm4b:s0+s31], $0xD00, s25, s31, $0x38;
	[tilespmem:$0x18D00] =	vst v63  }
0x18c: {  	_ =	swait.ge [sflag:s30], $0xD00  }
0x18d: {  	[sflag:s30] =	ssyncset.done $0x0  }
0x18e: {  	[sflag:s30] =	ssyncadd.s32 $0xFFFFF300  }
0x18f: {  	[tilespmem:s6], [sflag:$0x1] =	stream.indirect.gather [hbm4b:s3+s10], $0x80, s2, s10, $0xb8;
	[tilespmem:$0x18D00] =	vst v63  }
0x190: {  	_ = 	snop  }
0x191: {  	[tilespmem:s14], [sflag:$0x2] =	stream.indirect.gather [hbm4b:s3+s10], $0x80, s10, s10, $0xb8;
	[tilespmem:$0x18D00] =	vst v63  }
0x192: {  	_ =	swait.ge [sflag:s9], $0x8000  }
0x193: {  	[sflag:s9] =	ssyncset.done $0x0  }
0x194: {  	[sflag:s9] =	ssyncadd.s32 $0xFFFF8000  }
0x195: {  	[hbm4b:s22+s2] =	stream.linear.scatter [tilespmem:s6], [sflag:$0x4], $0x4000, $0x38;
	[tilespmem:$0x18D00] =	vst v63  }
0x196: {  	s31 =	rddreg [dreg:$0x5]  }
0x197: {  	[hbm4b:s31+s2] =	stream.linear.scatter [tilespmem:s8], [sflag:$0x4], $0x4000, $0x38;
	[tilespmem:$0x18D00] =	vst v63  }
0x198: {  	_ = 	snop  }
0x199: {  	[tilespmem:s11], [sflag:$0x3] =	stream.indirect.gather [hbm4b:s3+s10], $0x80, s1, s10, $0xb8;
	[tilespmem:$0x18D00] =	vst v63  }
0x19a: {  	_ =	swait.ge [sflag:s16], $0x8000  }
0x19b: {  	[sflag:s16] =	ssyncset.done $0x0  }
0x19c: {  	s30 =	rddreg [dreg:$0x6];
	[sflag:s16] =	ssyncadd.s32 $0xFFFF8000  }
0x19d: {  	[hbm4b:s30+s2] =	stream.linear.scatter [tilespmem:s14], [sflag:$0x5], $0x4000, $0x38;
	[tilespmem:$0x18D00] =	vst v63  }
0x19e: {  	s31 =	rddreg [dreg:$0x7]  }
0x19f: {  	[hbm4b:s31+s2] =	stream.linear.scatter [tilespmem:s15], [sflag:$0x5], $0x4000, $0x38;
	[tilespmem:$0x18D00] =	vst v63  }
0x1a0: {  	_ =	swait.ge [sflag:s7], $0x4000  }
0x1a1: {  	[sflag:s7] =	ssyncset.done $0x0  }
0x1a2: {  	[sflag:s7] =	ssyncadd.s32 $0xFFFFC000  }
0x1a3: {  	_ =	swait.ge [sflag:s7], $0x4000  }
0x1a4: {  	[sflag:s7] =	ssyncset.done $0x0  }
0x1a5: {  	[sflag:s7] =	ssyncadd.s32 $0xFFFFC000  }
0x1a6: {  	[tilespmem:s6], [sflag:$0x1] =	stream.indirect.gather [hbm4b:s3+s10], $0x80, s29, s10, $0xb8;
	[tilespmem:$0x18D00] =	vst v63  }
0x1a7: {  	_ =	swait.ge [sflag:s13], $0x8000  }
0x1a8: {  	[sflag:s13] =	ssyncset.done $0x0  }
0x1a9: {  	s22 =	rddreg [dreg:$0x8];
	[sflag:s13] =	ssyncadd.s32 $0xFFFF8000  }
0x1aa: {  	[hbm4b:s22+s2] =	stream.linear.scatter [tilespmem:s11], [sflag:$0x6], $0x4000, $0x38;
	[tilespmem:$0x18D00] =	vst v63  }
0x1ab: {  	s29 =	rddreg [dreg:$0x9]  }
0x1ac: {  	[hbm4b:s29+s2] =	stream.linear.scatter [tilespmem:s12], [sflag:$0x6], $0x4000, $0x38;
	[tilespmem:$0x18D00] =	vst v63  }
0x1ad: {  	_ =	swait.ge [sflag:s5], $0x4000  }
0x1ae: {  	[sflag:s5] =	ssyncset.done $0x0  }
0x1af: {  	[sflag:s5] =	ssyncadd.s32 $0xFFFFC000  }
0x1b0: {  	_ =	swait.ge [sflag:s5], $0x4000  }
0x1b1: {  	[sflag:s5] =	ssyncset.done $0x0  }
0x1b2: {  	[sflag:s5] =	ssyncadd.s32 $0xFFFFC000  }
0x1b3: {  	[tilespmem:s14], [sflag:$0x2] =	stream.indirect.gather [hbm4b:s3+s10], $0x80, s25, s10, $0xb8;
	[tilespmem:$0x18D00] =	vst v63  }
0x1b4: {  	_ =	swait.ge [sflag:s9], $0x8000  }
0x1b5: {  	[sflag:s9] =	ssyncset.done $0x0  }
0x1b6: {  	s30 =	rddreg [dreg:$0xa];
	[sflag:s9] =	ssyncadd.s32 $0xFFFF8000  }
0x1b7: {  	[hbm4b:s30+s2] =	stream.linear.scatter [tilespmem:s6], [sflag:$0x4], $0x4000, $0x38;
	[tilespmem:$0x18D00] =	vst v63  }
0x1b8: {  	s31 =	rddreg [dreg:$0xb]  }
0x1b9: {  	[hbm4b:s31+s2] =	stream.linear.scatter [tilespmem:s8], [sflag:$0x4], $0x4000, $0x38;
	[tilespmem:$0x18D00] =	vst v63  }
0x1ba: {  	_ =	swait.ge [sflag:s4], $0x4000  }
0x1bb: {  	[sflag:s4] =	ssyncset.done $0x0  }
0x1bc: {  	[sflag:s4] =	ssyncadd.s32 $0xFFFFC000  }
0x1bd: {  	_ =	swait.ge [sflag:s4], $0x4000  }
0x1be: {  	[sflag:s4] =	ssyncset.done $0x0  }
0x1bf: {  	[sflag:s4] =	ssyncadd.s32 $0xFFFFC000  }
0x1c0: {  	[tilespmem:s11], [sflag:$0x3] =	stream.indirect.gather [hbm4b:s3+s10], $0x80, s28, s10, $0xb8;
	[tilespmem:$0x18D00] =	vst v63  }
0x1c1: {  	_ =	swait.ge [sflag:s16], $0x8000  }
0x1c2: {  	[sflag:s16] =	ssyncset.done $0x0  }
0x1c3: {  	s1 =	rddreg [dreg:$0xc];
	[sflag:s16] =	ssyncadd.s32 $0xFFFF8000  }
0x1c4: {  	[hbm4b:s1+s2] =	stream.linear.scatter [tilespmem:s14], [sflag:$0x5], $0x4000, $0x38;
	[tilespmem:$0x18D00] =	vst v63  }
0x1c5: {  	s22 =	rddreg [dreg:$0xd]  }
0x1c6: {  	[hbm4b:s22+s2] =	stream.linear.scatter [tilespmem:s15], [sflag:$0x5], $0x4000, $0x38;
	[tilespmem:$0x18D00] =	vst v63  }
0x1c7: {  	_ =	swait.ge [sflag:s7], $0x4000  }
0x1c8: {  	[sflag:s7] =	ssyncset.done $0x0  }
0x1c9: {  	[sflag:s7] =	ssyncadd.s32 $0xFFFFC000  }
0x1ca: {  	_ =	swait.ge [sflag:s7], $0x4000  }
0x1cb: {  	[sflag:s7] =	ssyncset.done $0x0  }
0x1cc: {  	[sflag:s7] =	ssyncadd.s32 $0xFFFFC000  }
0x1cd: {  	[tilespmem:s6], [sflag:$0x1] =	stream.indirect.gather [hbm4b:s3+s10], $0x80, s26, s10, $0xb8;
	[tilespmem:$0x18D00] =	vst v63  }
0x1ce: {  	_ =	swait.ge [sflag:s13], $0x8000  }
0x1cf: {  	[sflag:s13] =	ssyncset.done $0x0  }
0x1d0: {  	s25 =	rddreg [dreg:$0xe];
	[sflag:s13] =	ssyncadd.s32 $0xFFFF8000  }
0x1d1: {  	[hbm4b:s25+s2] =	stream.linear.scatter [tilespmem:s11], [sflag:$0x6], $0x4000, $0x38;
	[tilespmem:$0x18D00] =	vst v63  }
0x1d2: {  	s26 =	rddreg [dreg:$0xf]  }
0x1d3: {  	[hbm4b:s26+s2] =	stream.linear.scatter [tilespmem:s12], [sflag:$0x6], $0x4000, $0x38;
	[tilespmem:$0x18D00] =	vst v63  }
0x1d4: {  	_ =	swait.ge [sflag:s5], $0x4000  }
0x1d5: {  	[sflag:s5] =	ssyncset.done $0x0  }
0x1d6: {  	[sflag:s5] =	ssyncadd.s32 $0xFFFFC000  }
0x1d7: {  	_ =	swait.ge [sflag:s5], $0x4000  }
0x1d8: {  	[sflag:s5] =	ssyncset.done $0x0  }
0x1d9: {  	[sflag:s5] =	ssyncadd.s32 $0xFFFFC000  }
0x1da: {  	[tilespmem:s14], [sflag:$0x2] =	stream.indirect.gather [hbm4b:s3+s10], $0x80, s24, s10, $0xb8;
	[tilespmem:$0x18D00] =	vst v63  }
0x1db: {  	_ =	swait.ge [sflag:s9], $0x8000  }
0x1dc: {  	[sflag:s9] =	ssyncset.done $0x0  }
0x1dd: {  	s28 =	rddreg [dreg:$0x10];
	[sflag:s9] =	ssyncadd.s32 $0xFFFF8000  }
0x1de: {  	[hbm4b:s28+s2] =	stream.linear.scatter [tilespmem:s6], [sflag:$0x4], $0x4000, $0x38;
	[tilespmem:$0x18D00] =	vst v63  }
0x1df: {  	s29 =	rddreg [dreg:$0x11]  }
0x1e0: {  	[hbm4b:s29+s2] =	stream.linear.scatter [tilespmem:s8], [sflag:$0x4], $0x4000, $0x38;
	[tilespmem:$0x18D00] =	vst v63  }
0x1e1: {  	_ =	swait.ge [sflag:s4], $0x4000  }
0x1e2: {  	[sflag:s4] =	ssyncset.done $0x0  }
0x1e3: {  	[sflag:s4] =	ssyncadd.s32 $0xFFFFC000  }
0x1e4: {  	_ =	swait.ge [sflag:s4], $0x4000  }
0x1e5: {  	[sflag:s4] =	ssyncset.done $0x0  }
0x1e6: {  	[sflag:s4] =	ssyncadd.s32 $0xFFFFC000  }
0x1e7: {  	[tilespmem:s11], [sflag:$0x3] =	stream.indirect.gather [hbm4b:s3+s10], $0x80, s23, s10, $0xb8;
	[tilespmem:$0x18D00] =	vst v63  }
0x1e8: {  	_ =	swait.ge [sflag:s16], $0x8000  }
0x1e9: {  	[sflag:s16] =	ssyncset.done $0x0  }
0x1ea: {  	s30 =	rddreg [dreg:$0x12];
	[sflag:s16] =	ssyncadd.s32 $0xFFFF8000  }
0x1eb: {  	[hbm4b:s30+s2] =	stream.linear.scatter [tilespmem:s14], [sflag:$0x5], $0x4000, $0x38;
	[tilespmem:$0x18D00] =	vst v63  }
0x1ec: {  	s31 =	rddreg [dreg:$0x13]  }
0x1ed: {  	[hbm4b:s31+s2] =	stream.linear.scatter [tilespmem:s15], [sflag:$0x5], $0x4000, $0x38;
	[tilespmem:$0x18D00] =	vst v63  }
0x1ee: {  	_ =	swait.ge [sflag:s7], $0x4000  }
0x1ef: {  	[sflag:s7] =	ssyncset.done $0x0  }
0x1f0: {  	[sflag:s7] =	ssyncadd.s32 $0xFFFFC000  }
0x1f1: {  	_ =	swait.ge [sflag:s7], $0x4000  }
0x1f2: {  	[sflag:s7] =	ssyncset.done $0x0  }
0x1f3: {  	[sflag:s7] =	ssyncadd.s32 $0xFFFFC000  }
0x1f4: {  	[tilespmem:s6], [sflag:$0x1] =	stream.indirect.gather [hbm4b:s3+s10], $0x80, s21, s10, $0xb8;
	[tilespmem:$0x18D00] =	vst v63  }
0x1f5: {  	_ =	swait.ge [sflag:s13], $0x8000  }
0x1f6: {  	[sflag:s13] =	ssyncset.done $0x0  }
0x1f7: {  	s21 =	rddreg [dreg:$0x14];
	[sflag:s13] =	ssyncadd.s32 $0xFFFF8000  }
0x1f8: {  	[hbm4b:s21+s2] =	stream.linear.scatter [tilespmem:s11], [sflag:$0x6], $0x4000, $0x38;
	[tilespmem:$0x18D00] =	vst v63  }
0x1f9: {  	s22 =	rddreg [dreg:$0x15]  }
0x1fa: {  	[hbm4b:s22+s2] =	stream.linear.scatter [tilespmem:s12], [sflag:$0x6], $0x4000, $0x38;
	[tilespmem:$0x18D00] =	vst v63  }
0x1fb: {  	_ =	swait.ge [sflag:s5], $0x4000  }
0x1fc: {  	[sflag:s5] =	ssyncset.done $0x0  }
0x1fd: {  	[sflag:s5] =	ssyncadd.s32 $0xFFFFC000  }
0x1fe: {  	_ =	swait.ge [sflag:s5], $0x4000  }
0x1ff: {  	[sflag:s5] =	ssyncset.done $0x0  }
0x200: {  	[sflag:s5] =	ssyncadd.s32 $0xFFFFC000  }
0x201: {  	[tilespmem:s14], [sflag:$0x2] =	stream.indirect.gather [hbm4b:s3+s10], $0x80, s20, s10, $0xb8;
	[tilespmem:$0x18D00] =	vst v63  }
0x202: {  	_ =	swait.ge [sflag:s9], $0x8000  }
0x203: {  	[sflag:s9] =	ssyncset.done $0x0  }
0x204: {  	s23 =	rddreg [dreg:$0x16];
	[sflag:s9] =	ssyncadd.s32 $0xFFFF8000  }
0x205: {  	[hbm4b:s23+s2] =	stream.linear.scatter [tilespmem:s6], [sflag:$0x4], $0x4000, $0x38;
	[tilespmem:$0x18D00] =	vst v63  }
0x206: {  	s24 =	rddreg [dreg:$0x17]  }
0x207: {  	[hbm4b:s24+s2] =	stream.linear.scatter [tilespmem:s8], [sflag:$0x4], $0x4000, $0x38;
	[tilespmem:$0x18D00] =	vst v63  }
0x208: {  	_ =	swait.ge [sflag:s4], $0x4000  }
0x209: {  	[sflag:s4] =	ssyncset.done $0x0  }
0x20a: {  	[sflag:s4] =	ssyncadd.s32 $0xFFFFC000  }
0x20b: {  	_ =	swait.ge [sflag:s4], $0x4000  }
0x20c: {  	[sflag:s4] =	ssyncset.done $0x0  }
0x20d: {  	[sflag:s4] =	ssyncadd.s32 $0xFFFFC000  }
0x20e: {  	[tilespmem:s11], [sflag:$0x3] =	stream.indirect.gather [hbm4b:s3+s10], $0x80, s19, s10, $0xb8;
	[tilespmem:$0x18D00] =	vst v63  }
0x20f: {  	_ =	swait.ge [sflag:s16], $0x8000  }
0x210: {  	[sflag:s16] =	ssyncset.done $0x0  }
0x211: {  	s25 =	rddreg [dreg:$0x18];
	[sflag:s16] =	ssyncadd.s32 $0xFFFF8000  }
0x212: {  	[hbm4b:s25+s2] =	stream.linear.scatter [tilespmem:s14], [sflag:$0x5], $0x4000, $0x38;
	[tilespmem:$0x18D00] =	vst v63  }
0x213: {  	s26 =	rddreg [dreg:$0x19]  }
0x214: {  	[hbm4b:s26+s2] =	stream.linear.scatter [tilespmem:s15], [sflag:$0x5], $0x4000, $0x38;
	[tilespmem:$0x18D00] =	vst v63  }
0x215: {  	_ =	swait.ge [sflag:s7], $0x4000  }
0x216: {  	[sflag:s7] =	ssyncset.done $0x0  }
0x217: {  	[sflag:s7] =	ssyncadd.s32 $0xFFFFC000  }
0x218: {  	_ =	swait.ge [sflag:s7], $0x4000  }
0x219: {  	[sflag:s7] =	ssyncset.done $0x0  }
0x21a: {  	[sflag:s7] =	ssyncadd.s32 $0xFFFFC000  }
0x21b: {  	[tilespmem:s6], [sflag:$0x1] =	stream.indirect.gather [hbm4b:s3+s10], $0x80, s18, s10, $0xb8;
	[tilespmem:$0x18D00] =	vst v63  }
0x21c: {  	_ =	swait.ge [sflag:s13], $0x8000  }
0x21d: {  	[sflag:s13] =	ssyncset.done $0x0  }
0x21e: {  	s28 =	rddreg [dreg:$0x1a];
	[sflag:s13] =	ssyncadd.s32 $0xFFFF8000  }
0x21f: {  	[hbm4b:s28+s2] =	stream.linear.scatter [tilespmem:s11], [sflag:$0x6], $0x4000, $0x38;
	[tilespmem:$0x18D00] =	vst v63  }
0x220: {  	s29 =	rddreg [dreg:$0x1b]  }
0x221: {  	[hbm4b:s29+s2] =	stream.linear.scatter [tilespmem:s12], [sflag:$0x6], $0x4000, $0x38;
	[tilespmem:$0x18D00] =	vst v63  }
0x222: {  	_ =	swait.ge [sflag:s9], $0x8000  }
0x223: {  	[sflag:s9] =	ssyncset.done $0x0  }
0x224: {  	s30 =	rddreg [dreg:$0x1c];
	[sflag:s9] =	ssyncadd.s32 $0xFFFF8000  }
0x225: {  	[hbm4b:s30+s2] =	stream.linear.scatter [tilespmem:s6], [sflag:$0x4], $0x4000, $0x38;
	[tilespmem:$0x18D00] =	vst v63  }
0x226: {  	s31 =	rddreg [dreg:$0x1d]  }
0x227: {  	[hbm4b:s31+s2] =	stream.linear.scatter [tilespmem:s8], [sflag:$0x4], $0x4000, $0x38;
	[tilespmem:$0x18D00] =	vst v63  }
0x228: {  	_ =	swait.ge [sflag:s7], $0x4000  }
0x229: {  	[sflag:s7] =	ssyncset.done $0x0  }
0x22a: {  	[sflag:s7] =	ssyncadd.s32 $0xFFFFC000  }
0x22b: {  	_ =	swait.ge [sflag:s7], $0x4000  }
0x22c: {  	[sflag:s7] =	ssyncset.done $0x0  }
0x22d: {  	[sflag:s7] =	ssyncadd.s32 $0xFFFFC000  }
0x22e: {  	_ =	swait.ge [sflag:s5], $0x4000  }
0x22f: {  	[sflag:s5] =	ssyncset.done $0x0  }
0x230: {  	[sflag:s5] =	ssyncadd.s32 $0xFFFFC000  }
0x231: {  	_ =	swait.ge [sflag:s5], $0x4000  }
0x232: {  	[sflag:s5] =	ssyncset.done $0x0  }
0x233: {  	[sflag:s5] =	ssyncadd.s32 $0xFFFFC000  }
0x234: {  	_ =	swait.ge [sflag:s4], $0x4000  }
0x235: {  	[sflag:s4] =	ssyncset.done $0x0  }
0x236: {  	[sflag:s4] =	ssyncadd.s32 $0xFFFFC000  }
0x237: {  	_ =	swait.ge [sflag:s4], $0x4000  }
0x238: {  	[sflag:s4] =	ssyncset.done $0x0  }
0x239: {  	[sflag:s4] =	ssyncadd.s32 $0xFFFFC000  }
0x23a: {  	_ =	sfence.sel $0x180000  }
0x23b: {  	[bflag:$0x0] =	sbarrier.arrive $0xFFFF  }
0x23c: {  	_ =	strace $0x90000047  }
0x23d: {  	[bflag:$0x2] =	sbarrier.arrive $0xFFFF  }
0x23e: {  	p0 =	sne.s32 s17, $0x0;
	s0 =	rddreg [dreg:$0x3]  }
0x23f: {  	s0 =	sadd.s32 @!p0 $0x100000, s0  }
0x240: {  	[sflag:s0] =	ssyncadd.tile.s32 @!p0 $0x1;
	_ =	shalt  }
.LBB2_1:
.Ltmp3:
0x241: {  	(pc) =	sbr.rel .LBB2_6-.Ltmp3, $4  }
0x242: {  	_ = 	snop  }
0x243: {  	s29 =	simm.s32 $0x300;
	s28 =	simm.s32 $0x500;
	s26 =	simm.s32 $0x600  }
0x244: {  	s24 =	simm.s32 $0x700;
	s23 =	simm.s32 $0x800;
	s21 =	simm.s32 $0x900  }
0x245: {  	s20 =	simm.s32 $0xA00;
	s19 =	simm.s32 $0xB00;
	s18 =	simm.s32 $0xC00  }
.LBB2_3:
.Ltmp4:
0x246: {  	(pc) =	sbr.rel .LBB2_6-.Ltmp4, $4  }
0x247: {  	s29 =	simm.s32 $0x300;
	s28 =	simm.s32 $0x500;
	s26 =	simm.s32 $0x600  }
0x248: {  	s24 =	simm.s32 $0x700;
	s23 =	simm.s32 $0x800;
	s21 =	simm.s32 $0x900  }
0x249: {  	s20 =	simm.s32 $0xA00;
	s19 =	simm.s32 $0xB00;
	s18 =	simm.s32 $0xC00  }
0x24a: {  	s17 =	stileid.u32;
	s1 =	simm.s32 $0x200;
	s31 =	simm.s32 $0x80  }
.Lfunc_end2:
_tile_overlayer_lowered:
.L_overlay_start_2:
0x24b: {  	(tag) =	ssettag $0x2  }
0x24c: {  	s0 =	rddreg [dreg:$0x0];
	s2 =	stileid.u32  }
0x24d: {  	s1 =	rddreg [dreg:$0x1];
	p0 =	sne.s32 s2, $0x0  }
0x24e: {  	s3 =	rddreg [dreg:$0x2];
	[bflag:$0x3] =	sbarrier.arrive $0xFFFF;
	s2 =	simm.s32 @!p0 $0x1C07  }
0x24f: {  	[timem:s3], [sflag:s2] =	dma.local @!p0 [hbm:s0], s1  }
0x250: {  	s0 =	simm.s32 @!p0 $0x7  }
0x251: {  	_ =	swait.ge @!p0 [sflag:s0], s1  }
0x252: {  	s1 =	ssub.s32 @!p0 $0x0, s1;
	[sflag:s0] =	ssyncset.done @!p0 $0x0  }
0x253: {  	[sflag:s0] =	ssyncadd.s32 @!p0 s1  }
0x254: {  	[bflag:$0x3] =	sbarrier.arrive $0xFFFF  }
0x255: {  	_ =	shalt  }

</sc_bundles>
